<compile_context>
chip_gen: v7x
topology: tpu7x:2x2x1
jax: 0.10.2.dev20260603
libtpu: 0.0.44.dev20260713+nightly
codegen_flags: <defaults>
</compile_context>

<pallas_src>
import functools

import jax
import jax.numpy as jnp
from jax import lax
from jax.experimental import pallas as pl
from jax.experimental.pallas import tpu as pltpu
from jax.experimental.pallas import tpu_sc as plsc

VOCAB = 49408
HIDDEN = 768
MAX_POS = 77
BATCH = 1024
SEQ = 77

NC = 2
NS = 16
NW = NC * NS

B = BATCH * SEQ
BPW = BATCH // NW
LANES = 16
NVEC = HIDDEN // LANES
NBUF = 4


def _body(table_hbm, idx_hbm, pos_hbm, out_hbm,
          idx_v, pos_v, buf, gsem, psem, ssem):
    wid = lax.axis_index("s") * NC + lax.axis_index("c")
    col0 = wid * BPW

    pltpu.sync_copy(idx_hbm.at[wid], idx_v)

    def gather_start(p):
        m = lax.rem(p, NBUF)
        pltpu.async_copy(table_hbm.at[idx_v.at[p]], buf.at[m], gsem)
        pltpu.async_copy(pos_hbm.at[p], pos_v.at[m], psem)

    def gather_wait(p):
        m = lax.rem(p, NBUF)
        pltpu.make_async_copy(table_hbm.at[idx_v.at[p]], buf.at[m], gsem).wait()
        pltpu.make_async_copy(pos_hbm.at[p], pos_v.at[m], psem).wait()

    HB = BPW // 2

    def scatter_start(p, h):
        m = lax.rem(p, NBUF)
        pltpu.async_copy(
            buf.at[m, pl.ds(h * HB, HB)],
            out_hbm.at[pl.ds(p * BATCH + col0 + h * HB, HB)], ssem)

    def scatter_wait(p):
        m = lax.rem(p, NBUF)
        for h in range(2):
            pltpu.make_async_copy(
                buf.at[m, pl.ds(h * HB, HB)],
                out_hbm.at[pl.ds(p * BATCH + col0 + h * HB, HB)], ssem
            ).wait()

    for p in range(NBUF - 1):
        gather_start(p)

    def chunk_body(p, _):
        @pl.when(p >= 1)
        def _():
            scatter_wait(p - 1)

        @pl.when(p + NBUF - 1 < SEQ)
        def _():
            gather_start(p + NBUF - 1)

        gather_wait(p)
        m = lax.rem(p, NBUF)

        def make_col_body(h):
            def col_body(j, _):
                sl = pl.ds(j * LANES, LANES)
                pv = pos_v[m, 0, sl]
                for b in range(h * HB, (h + 1) * HB):
                    buf[m, b, sl] += pv
                return 0
            return col_body

        lax.fori_loop(0, NVEC, make_col_body(0), 0)
        scatter_start(p, 0)
        lax.fori_loop(0, NVEC, make_col_body(1), 0)
        scatter_start(p, 1)
        return 0

    lax.fori_loop(0, SEQ, chunk_body, 0)
    scatter_wait(SEQ - 1)


_sc_call = functools.partial(
    pl.kernel,
    out_type=jax.ShapeDtypeStruct((B, HIDDEN), jnp.float32),
    mesh=plsc.VectorSubcoreMesh(
        core_axis_name="c", subcore_axis_name="s", num_cores=NC, num_subcores=NS
    ),
    scratch_types=[
        pltpu.VMEM((SEQ, BPW), jnp.int32),
        pltpu.VMEM((NBUF, 1, HIDDEN), jnp.float32),
        pltpu.VMEM((NBUF, BPW, HIDDEN), jnp.float32),
        pltpu.SemaphoreType.DMA,
        pltpu.SemaphoreType.DMA,
        pltpu.SemaphoreType.DMA,
    ],
)(_body)


@jax.jit
def kernel(input_ids, token_table, pos_table):
    ids = input_ids.astype(jnp.int32).reshape(NW, BPW, SEQ).transpose(0, 2, 1)
    pos = pos_table.reshape(SEQ, 1, HIDDEN)
    out = _sc_call(token_table, ids, pos)
    return out.reshape(SEQ, BATCH, HIDDEN).transpose(1, 0, 2)

# --- scband reference (transcript-rebuilt; emitter-appended) ---
"""Pipeline reference for scband-cliptext-embeddings-35192962023708 (READ-ONLY COPY).

The authoritative reference and input builder live on the scoring server;
editing this copy changes nothing except your own understanding.
"""

import jax, jax.numpy as jnp
import numpy as np

VOCAB = 49408
HIDDEN = 768
MAX_POS = 77
BATCH = 1024
SEQ = 77


def setup_inputs(seed: int = 0) -> dict:
    key = jax.random.key(seed)
    k1, k2, k3 = jax.random.split(key, 3)
    input_ids = jax.random.randint(k1, (BATCH, SEQ), 0, VOCAB, dtype=jnp.int64 if jax.config.jax_enable_x64 else jnp.int32)
    token_table = jax.random.normal(k2, (VOCAB, HIDDEN), dtype=jnp.float32) * 0.02
    pos_table = jax.random.normal(k3, (MAX_POS, HIDDEN), dtype=jnp.float32) * 0.02
    return {"input_ids": input_ids, "token_table": token_table, "pos_table": pos_table}


def reference(input_ids, token_table, pos_table):
    seq_len = input_ids.shape[1]
    pos_ids = jnp.arange(seq_len)[None, :]  # [1, seq_len]
    tok_emb = jnp.take(token_table, input_ids, axis=0)  # [B, S, H] gather
    pos_emb = jnp.take(pos_table, pos_ids, axis=0)      # [1, S, H] gather
    return tok_emb + pos_emb

if __name__ == "__main__":
    import jax
    _d = setup_inputs()
    print(jax.jit(kernel)(*tuple(_d.values())))

</pallas_src>

<mosaic_0001>
#map = affine_map<(d0, d1) -> (0, 0)>
#map1 = affine_map<(d0, d1) -> (0, 0, 0)>
module attributes {stable_mosaic.version = 14 : i64} {
  func.func @_body(%arg0: i32, %arg1: i32, %arg2: memref<49408x768xf32, #tpu.memory_space<hbm>>, %arg3: memref<32x77x32xi32, #tpu.memory_space<hbm>>, %arg4: memref<77x1x768xf32, #tpu.memory_space<hbm>>, %arg5: memref<78848x768xf32, #tpu.memory_space<hbm>>, %arg6: memref<77x32xi32, #tpu.memory_space<vmem>>, %arg7: memref<4x1x768xf32, #tpu.memory_space<vmem>>, %arg8: memref<4x32x768xf32, #tpu.memory_space<vmem>>, %arg9: memref<!tpu.dma_semaphore, #tpu.memory_space<semaphore_mem>>, %arg10: memref<!tpu.dma_semaphore, #tpu.memory_space<semaphore_mem>>, %arg11: memref<!tpu.dma_semaphore, #tpu.memory_space<semaphore_mem>>) attributes {dimension_semantics = [#tpu.dimension_semantics<core_parallel>, #tpu.dimension_semantics<subcore_parallel>], iteration_bounds = array<i64: 2, 16>, scalar_prefetch = 0 : i64, scratch_operands = 6 : i64, tpu.core_type = #tpu.core_type<sc_vector_subcore>, window_params = [{transform_indices = #map}, {transform_indices = #map1}, {transform_indices = #map1}, {transform_indices = #map}]} {
    %mul3A = arith.constant 2 : i32
    %mul3A_0 = arith.muli %arg1, %mul3A : i32
    %add3A = arith.addi %mul3A_0, %arg0 : i32
    %mul3A_1 = arith.constant 32 : i32
    %mul3A_2 = arith.muli %add3A, %mul3A_1 : i32
    "tpu.region"() ({
      %run_scoped3A = tpu.sem_alloc : memref<!tpu.dma_semaphore, #tpu.memory_space<semaphore_mem>>
      %dma_start3A_134 = arith.constant 0 : i32
      %dma_start3A_135 = arith.constant 0 : i32
      %dma_start3A_136 = tpu.memref_slice %arg3[%add3A, %dma_start3A_134, %dma_start3A_135] : memref<32x77x32xi32, #tpu.memory_space<hbm>> -> memref<1x77x32xi32, #tpu.memory_space<hbm>>
      %dma_start3A_137 = tpu.memref_squeeze %dma_start3A_136 : memref<1x77x32xi32, #tpu.memory_space<hbm>> -> memref<77x32xi32, #tpu.memory_space<hbm>>
      %dma_start3A_138 = arith.constant 0 : i32
      %dma_start3A_139 = arith.constant 0 : i32
      %dma_start3A_140 = tpu.memref_slice %arg3[%add3A, %dma_start3A_138, %dma_start3A_139] : memref<32x77x32xi32, #tpu.memory_space<hbm>> -> memref<1x77x32xi32, #tpu.memory_space<hbm>>
      %dma_start3A_141 = tpu.memref_squeeze %dma_start3A_140 : memref<1x77x32xi32, #tpu.memory_space<hbm>> -> memref<77x32xi32, #tpu.memory_space<hbm>>
      tpu.enqueue_dma source(%dma_start3A_141 : memref<77x32xi32, #tpu.memory_space<hbm>>) target(%arg6 : memref<77x32xi32, #tpu.memory_space<vmem>>) target_semaphore(%run_scoped3A : memref<!tpu.dma_semaphore, #tpu.memory_space<semaphore_mem>>)
      %dma_wait3A_142 = arith.constant 0 : i32
      %dma_wait3A_143 = arith.constant 0 : i32
      %dma_wait3A_144 = tpu.memref_slice %arg3[%add3A, %dma_wait3A_142, %dma_wait3A_143] : memref<32x77x32xi32, #tpu.memory_space<hbm>> -> memref<1x77x32xi32, #tpu.memory_space<hbm>>
      %dma_wait3A_145 = tpu.memref_squeeze %dma_wait3A_144 : memref<1x77x32xi32, #tpu.memory_space<hbm>> -> memref<77x32xi32, #tpu.memory_space<hbm>>
      %dma_wait3A_146 = arith.constant 0 : i32
      %dma_wait3A_147 = arith.constant 0 : i32
      %dma_wait3A_148 = tpu.memref_slice %arg3[%add3A, %dma_wait3A_146, %dma_wait3A_147] : memref<32x77x32xi32, #tpu.memory_space<hbm>> -> memref<1x77x32xi32, #tpu.memory_space<hbm>>
      %dma_wait3A_149 = tpu.memref_squeeze %dma_wait3A_148 : memref<1x77x32xi32, #tpu.memory_space<hbm>> -> memref<77x32xi32, #tpu.memory_space<hbm>>
      tpu.wait_dma2 semaphore(%run_scoped3A : memref<!tpu.dma_semaphore, #tpu.memory_space<semaphore_mem>>) src(%dma_wait3A_149 : memref<77x32xi32, #tpu.memory_space<hbm>>) dst(%arg6 : memref<77x32xi32, #tpu.memory_space<vmem>>)
      tpu.yield
    }) : () -> ()
    %rem3A = arith.constant 0 : i32
    %rem3A_3 = arith.constant 4 : i32
    %rem3A_4 = arith.remsi %rem3A, %rem3A_3 : i32
    %dma_start3A = arith.constant 0 : i32
    %dma_start3A_5 = arith.constant 0 : i32
    %dma_start3A_6 = arith.constant 0 : i32
    %dma_start3A_7 = tpu.memref_slice %arg8[%rem3A_4, %dma_start3A_5, %dma_start3A_6] : memref<4x32x768xf32, #tpu.memory_space<vmem>> -> memref<1x32x768xf32, #tpu.memory_space<vmem>>
    %dma_start3A_8 = tpu.memref_squeeze %dma_start3A_7 : memref<1x32x768xf32, #tpu.memory_space<vmem>> -> memref<32x768xf32, #tpu.memory_space<vmem>>
    %dma_start3A_9 = arith.constant 0 : i32
    %dma_start3A_10 = tpu.memref_slice %arg6[%dma_start3A, %dma_start3A_9] : memref<77x32xi32, #tpu.memory_space<vmem>> -> memref<1x32xi32, #tpu.memory_space<vmem>>
    %dma_start3A_11 = tpu.memref_squeeze %dma_start3A_10 : memref<1x32xi32, #tpu.memory_space<vmem>> -> memref<32xi32, #tpu.memory_space<vmem>>
    %dma_start3A_12 = arith.constant 0 : i32
    %dma_start3A_13 = arith.constant 0 : i32
    %dma_start3A_14 = tpu.memref_slice %arg2[%dma_start3A_12, %dma_start3A_13] : memref<49408x768xf32, #tpu.memory_space<hbm>> -> memref<49408x768xf32, #tpu.memory_space<hbm>>
    tpu.enqueue_indirect_dma source(%dma_start3A_14 : memref<49408x768xf32, #tpu.memory_space<hbm>>) target(%dma_start3A_8 : memref<32x768xf32, #tpu.memory_space<vmem>>) offsets(%dma_start3A_11 : memref<32xi32, #tpu.memory_space<vmem>>) semaphore(%arg9 : memref<!tpu.dma_semaphore, #tpu.memory_space<semaphore_mem>>)
    %dma_start3A_15 = arith.constant 0 : i32
    %dma_start3A_16 = arith.constant 0 : i32
    %dma_start3A_17 = arith.constant 0 : i32
    %dma_start3A_18 = tpu.memref_slice %arg7[%rem3A_4, %dma_start3A_16, %dma_start3A_17] : memref<4x1x768xf32, #tpu.memory_space<vmem>> -> memref<1x1x768xf32, #tpu.memory_space<vmem>>
    %dma_start3A_19 = tpu.memref_squeeze %dma_start3A_18 : memref<1x1x768xf32, #tpu.memory_space<vmem>> -> memref<1x768xf32, #tpu.memory_space<vmem>>
    %dma_start3A_20 = arith.constant 0 : i32
    %dma_start3A_21 = arith.constant 0 : i32
    %dma_start3A_22 = tpu.memref_slice %arg4[%dma_start3A_15, %dma_start3A_20, %dma_start3A_21] : memref<77x1x768xf32, #tpu.memory_space<hbm>> -> memref<1x1x768xf32, #tpu.memory_space<hbm>>
    %dma_start3A_23 = tpu.memref_squeeze %dma_start3A_22 : memref<1x1x768xf32, #tpu.memory_space<hbm>> -> memref<1x768xf32, #tpu.memory_space<hbm>>
    %dma_start3A_24 = arith.constant 0 : i32
    %dma_start3A_25 = arith.constant 0 : i32
    %dma_start3A_26 = tpu.memref_slice %arg7[%rem3A_4, %dma_start3A_24, %dma_start3A_25] : memref<4x1x768xf32, #tpu.memory_space<vmem>> -> memref<1x1x768xf32, #tpu.memory_space<vmem>>
    %dma_start3A_27 = tpu.memref_squeeze %dma_start3A_26 : memref<1x1x768xf32, #tpu.memory_space<vmem>> -> memref<1x768xf32, #tpu.memory_space<vmem>>
    %dma_start3A_28 = arith.constant 0 : i32
    %dma_start3A_29 = arith.constant 0 : i32
    %dma_start3A_30 = tpu.memref_slice %arg4[%dma_start3A_15, %dma_start3A_28, %dma_start3A_29] : memref<77x1x768xf32, #tpu.memory_space<hbm>> -> memref<1x1x768xf32, #tpu.memory_space<hbm>>
    %dma_start3A_31 = tpu.memref_squeeze %dma_start3A_30 : memref<1x1x768xf32, #tpu.memory_space<hbm>> -> memref<1x768xf32, #tpu.memory_space<hbm>>
    tpu.enqueue_dma source(%dma_start3A_31 : memref<1x768xf32, #tpu.memory_space<hbm>>) target(%dma_start3A_27 : memref<1x768xf32, #tpu.memory_space<vmem>>) target_semaphore(%arg10 : memref<!tpu.dma_semaphore, #tpu.memory_space<semaphore_mem>>)
    %rem3A_32 = arith.constant 1 : i32
    %rem3A_33 = arith.constant 4 : i32
    %rem3A_34 = arith.remsi %rem3A_32, %rem3A_33 : i32
    %dma_start3A_35 = arith.constant 1 : i32
    %dma_start3A_36 = arith.constant 0 : i32
    %dma_start3A_37 = arith.constant 0 : i32
    %dma_start3A_38 = tpu.memref_slice %arg8[%rem3A_34, %dma_start3A_36, %dma_start3A_37] : memref<4x32x768xf32, #tpu.memory_space<vmem>> -> memref<1x32x768xf32, #tpu.memory_space<vmem>>
    %dma_start3A_39 = tpu.memref_squeeze %dma_start3A_38 : memref<1x32x768xf32, #tpu.memory_space<vmem>> -> memref<32x768xf32, #tpu.memory_space<vmem>>
    %dma_start3A_40 = arith.constant 0 : i32
    %dma_start3A_41 = tpu.memref_slice %arg6[%dma_start3A_35, %dma_start3A_40] : memref<77x32xi32, #tpu.memory_space<vmem>> -> memref<1x32xi32, #tpu.memory_space<vmem>>
    %dma_start3A_42 = tpu.memref_squeeze %dma_start3A_41 : memref<1x32xi32, #tpu.memory_space<vmem>> -> memref<32xi32, #tpu.memory_space<vmem>>
    %dma_start3A_43 = arith.constant 0 : i32
    %dma_start3A_44 = arith.constant 0 : i32
    %dma_start3A_45 = tpu.memref_slice %arg2[%dma_start3A_43, %dma_start3A_44] : memref<49408x768xf32, #tpu.memory_space<hbm>> -> memref<49408x768xf32, #tpu.memory_space<hbm>>
    tpu.enqueue_indirect_dma source(%dma_start3A_45 : memref<49408x768xf32, #tpu.memory_space<hbm>>) target(%dma_start3A_39 : memref<32x768xf32, #tpu.memory_space<vmem>>) offsets(%dma_start3A_42 : memref<32xi32, #tpu.memory_space<vmem>>) semaphore(%arg9 : memref<!tpu.dma_semaphore, #tpu.memory_space<semaphore_mem>>)
    %dma_start3A_46 = arith.constant 1 : i32
    %dma_start3A_47 = arith.constant 0 : i32
    %dma_start3A_48 = arith.constant 0 : i32
    %dma_start3A_49 = tpu.memref_slice %arg7[%rem3A_34, %dma_start3A_47, %dma_start3A_48] : memref<4x1x768xf32, #tpu.memory_space<vmem>> -> memref<1x1x768xf32, #tpu.memory_space<vmem>>
    %dma_start3A_50 = tpu.memref_squeeze %dma_start3A_49 : memref<1x1x768xf32, #tpu.memory_space<vmem>> -> memref<1x768xf32, #tpu.memory_space<vmem>>
    %dma_start3A_51 = arith.constant 0 : i32
    %dma_start3A_52 = arith.constant 0 : i32
    %dma_start3A_53 = tpu.memref_slice %arg4[%dma_start3A_46, %dma_start3A_51, %dma_start3A_52] : memref<77x1x768xf32, #tpu.memory_space<hbm>> -> memref<1x1x768xf32, #tpu.memory_space<hbm>>
    %dma_start3A_54 = tpu.memref_squeeze %dma_start3A_53 : memref<1x1x768xf32, #tpu.memory_space<hbm>> -> memref<1x768xf32, #tpu.memory_space<hbm>>
    %dma_start3A_55 = arith.constant 0 : i32
    %dma_start3A_56 = arith.constant 0 : i32
    %dma_start3A_57 = tpu.memref_slice %arg7[%rem3A_34, %dma_start3A_55, %dma_start3A_56] : memref<4x1x768xf32, #tpu.memory_space<vmem>> -> memref<1x1x768xf32, #tpu.memory_space<vmem>>
    %dma_start3A_58 = tpu.memref_squeeze %dma_start3A_57 : memref<1x1x768xf32, #tpu.memory_space<vmem>> -> memref<1x768xf32, #tpu.memory_space<vmem>>
    %dma_start3A_59 = arith.constant 0 : i32
    %dma_start3A_60 = arith.constant 0 : i32
    %dma_start3A_61 = tpu.memref_slice %arg4[%dma_start3A_46, %dma_start3A_59, %dma_start3A_60] : memref<77x1x768xf32, #tpu.memory_space<hbm>> -> memref<1x1x768xf32, #tpu.memory_space<hbm>>
    %dma_start3A_62 = tpu.memref_squeeze %dma_start3A_61 : memref<1x1x768xf32, #tpu.memory_space<hbm>> -> memref<1x768xf32, #tpu.memory_space<hbm>>
    tpu.enqueue_dma source(%dma_start3A_62 : memref<1x768xf32, #tpu.memory_space<hbm>>) target(%dma_start3A_58 : memref<1x768xf32, #tpu.memory_space<vmem>>) target_semaphore(%arg10 : memref<!tpu.dma_semaphore, #tpu.memory_space<semaphore_mem>>)
    %rem3A_63 = arith.constant 2 : i32
    %rem3A_64 = arith.constant 4 : i32
    %rem3A_65 = arith.remsi %rem3A_63, %rem3A_64 : i32
    %dma_start3A_66 = arith.constant 2 : i32
    %dma_start3A_67 = arith.constant 0 : i32
    %dma_start3A_68 = arith.constant 0 : i32
    %dma_start3A_69 = tpu.memref_slice %arg8[%rem3A_65, %dma_start3A_67, %dma_start3A_68] : memref<4x32x768xf32, #tpu.memory_space<vmem>> -> memref<1x32x768xf32, #tpu.memory_space<vmem>>
    %dma_start3A_70 = tpu.memref_squeeze %dma_start3A_69 : memref<1x32x768xf32, #tpu.memory_space<vmem>> -> memref<32x768xf32, #tpu.memory_space<vmem>>
    %dma_start3A_71 = arith.constant 0 : i32
    %dma_start3A_72 = tpu.memref_slice %arg6[%dma_start3A_66, %dma_start3A_71] : memref<77x32xi32, #tpu.memory_space<vmem>> -> memref<1x32xi32, #tpu.memory_space<vmem>>
    %dma_start3A_73 = tpu.memref_squeeze %dma_start3A_72 : memref<1x32xi32, #tpu.memory_space<vmem>> -> memref<32xi32, #tpu.memory_space<vmem>>
    %dma_start3A_74 = arith.constant 0 : i32
    %dma_start3A_75 = arith.constant 0 : i32
    %dma_start3A_76 = tpu.memref_slice %arg2[%dma_start3A_74, %dma_start3A_75] : memref<49408x768xf32, #tpu.memory_space<hbm>> -> memref<49408x768xf32, #tpu.memory_space<hbm>>
    tpu.enqueue_indirect_dma source(%dma_start3A_76 : memref<49408x768xf32, #tpu.memory_space<hbm>>) target(%dma_start3A_70 : memref<32x768xf32, #tpu.memory_space<vmem>>) offsets(%dma_start3A_73 : memref<32xi32, #tpu.memory_space<vmem>>) semaphore(%arg9 : memref<!tpu.dma_semaphore, #tpu.memory_space<semaphore_mem>>)
    %dma_start3A_77 = arith.constant 2 : i32
    %dma_start3A_78 = arith.constant 0 : i32
    %dma_start3A_79 = arith.constant 0 : i32
    %dma_start3A_80 = tpu.memref_slice %arg7[%rem3A_65, %dma_start3A_78, %dma_start3A_79] : memref<4x1x768xf32, #tpu.memory_space<vmem>> -> memref<1x1x768xf32, #tpu.memory_space<vmem>>
    %dma_start3A_81 = tpu.memref_squeeze %dma_start3A_80 : memref<1x1x768xf32, #tpu.memory_space<vmem>> -> memref<1x768xf32, #tpu.memory_space<vmem>>
    %dma_start3A_82 = arith.constant 0 : i32
    %dma_start3A_83 = arith.constant 0 : i32
    %dma_start3A_84 = tpu.memref_slice %arg4[%dma_start3A_77, %dma_start3A_82, %dma_start3A_83] : memref<77x1x768xf32, #tpu.memory_space<hbm>> -> memref<1x1x768xf32, #tpu.memory_space<hbm>>
    %dma_start3A_85 = tpu.memref_squeeze %dma_start3A_84 : memref<1x1x768xf32, #tpu.memory_space<hbm>> -> memref<1x768xf32, #tpu.memory_space<hbm>>
    %dma_start3A_86 = arith.constant 0 : i32
    %dma_start3A_87 = arith.constant 0 : i32
    %dma_start3A_88 = tpu.memref_slice %arg7[%rem3A_65, %dma_start3A_86, %dma_start3A_87] : memref<4x1x768xf32, #tpu.memory_space<vmem>> -> memref<1x1x768xf32, #tpu.memory_space<vmem>>
    %dma_start3A_89 = tpu.memref_squeeze %dma_start3A_88 : memref<1x1x768xf32, #tpu.memory_space<vmem>> -> memref<1x768xf32, #tpu.memory_space<vmem>>
    %dma_start3A_90 = arith.constant 0 : i32
    %dma_start3A_91 = arith.constant 0 : i32
    %dma_start3A_92 = tpu.memref_slice %arg4[%dma_start3A_77, %dma_start3A_90, %dma_start3A_91] : memref<77x1x768xf32, #tpu.memory_space<hbm>> -> memref<1x1x768xf32, #tpu.memory_space<hbm>>
    %dma_start3A_93 = tpu.memref_squeeze %dma_start3A_92 : memref<1x1x768xf32, #tpu.memory_space<hbm>> -> memref<1x768xf32, #tpu.memory_space<hbm>>
    tpu.enqueue_dma source(%dma_start3A_93 : memref<1x768xf32, #tpu.memory_space<hbm>>) target(%dma_start3A_89 : memref<1x768xf32, #tpu.memory_space<vmem>>) target_semaphore(%arg10 : memref<!tpu.dma_semaphore, #tpu.memory_space<semaphore_mem>>)
    %scan3A = arith.constant 0 : i32
    %scan3A_94 = arith.constant 0 : i32
    %scan3A_95 = arith.constant 77 : i32
    %scan3A_96 = arith.addi %scan3A_94, %scan3A_95 : i32
    %scan3A_97 = arith.constant 1 : i32
    %scan3A_98 = scf.for %scan3A_134 = %scan3A_94 to %scan3A_96 step %scan3A_97 iter_args(%scan3A_135 = %scan3A) -> (i32)  : i32 {
      %ge3A = arith.constant 1 : i32
      %ge3A_136 = arith.cmpi sge, %scan3A_134, %ge3A : i32
      %convert_element_type3A = arith.extui %ge3A_136 : i1 to i32
      %cond3A = arith.constant 0 : i32
      %cond3A_137 = arith.cmpi ne, %convert_element_type3A, %cond3A : i32
      scf.if %cond3A_137 {
        %sub3A_228 = arith.constant 1 : i32
        %sub3A_229 = arith.subi %scan3A_134, %sub3A_228 : i32
        %rem3A_230 = arith.constant 4 : i32
        %rem3A_231 = arith.remsi %sub3A_229, %rem3A_230 : i32
        %mul3A_232 = arith.constant 1024 : i32
        %mul3A_233 = arith.muli %sub3A_229, %mul3A_232 : i32
        %add3A_234 = arith.addi %mul3A_233, %mul3A_2 : i32
        %add3A_235 = arith.constant 0 : i32
        %add3A_236 = arith.addi %add3A_234, %add3A_235 : i32
        %dma_wait3A_237 = arith.constant 0 : i32
        %dma_wait3A_238 = arith.constant 0 : i32
        %dma_wait3A_239 = tpu.memref_slice %arg8[%rem3A_231, %dma_wait3A_237, %dma_wait3A_238] : memref<4x32x768xf32, #tpu.memory_space<vmem>> -> memref<1x16x768xf32, #tpu.memory_space<vmem>>
        %dma_wait3A_240 = tpu.memref_squeeze %dma_wait3A_239 : memref<1x16x768xf32, #tpu.memory_space<vmem>> -> memref<16x768xf32, #tpu.memory_space<vmem>>
        %dma_wait3A_241 = arith.constant 0 : i32
        %dma_wait3A_242 = tpu.memref_slice %arg5[%add3A_236, %dma_wait3A_241] : memref<78848x768xf32, #tpu.memory_space<hbm>> -> memref<16x768xf32, #tpu.memory_space<hbm>>
        %dma_wait3A_243 = arith.constant 0 : i32
        %dma_wait3A_244 = tpu.memref_slice %arg5[%add3A_236, %dma_wait3A_243] : memref<78848x768xf32, #tpu.memory_space<hbm>> -> memref<16x768xf32, #tpu.memory_space<hbm>>
        %dma_wait3A_245 = arith.constant 0 : i32
        %dma_wait3A_246 = arith.constant 0 : i32
        %dma_wait3A_247 = tpu.memref_slice %arg8[%rem3A_231, %dma_wait3A_245, %dma_wait3A_246] : memref<4x32x768xf32, #tpu.memory_space<vmem>> -> memref<1x16x768xf32, #tpu.memory_space<vmem>>
        %dma_wait3A_248 = tpu.memref_squeeze %dma_wait3A_247 : memref<1x16x768xf32, #tpu.memory_space<vmem>> -> memref<16x768xf32, #tpu.memory_space<vmem>>
        tpu.wait_dma2 semaphore(%arg11 : memref<!tpu.dma_semaphore, #tpu.memory_space<semaphore_mem>>) src(%dma_wait3A_248 : memref<16x768xf32, #tpu.memory_space<vmem>>) dst(%dma_wait3A_244 : memref<16x768xf32, #tpu.memory_space<hbm>>)
        %mul3A_249 = arith.constant 1024 : i32
        %mul3A_250 = arith.muli %sub3A_229, %mul3A_249 : i32
        %add3A_251 = arith.addi %mul3A_250, %mul3A_2 : i32
        %add3A_252 = arith.constant 16 : i32
        %add3A_253 = arith.addi %add3A_251, %add3A_252 : i32
        %dma_wait3A_254 = arith.constant 16 : i32
        %dma_wait3A_255 = arith.constant 0 : i32
        %dma_wait3A_256 = tpu.memref_slice %arg8[%rem3A_231, %dma_wait3A_254, %dma_wait3A_255] : memref<4x32x768xf32, #tpu.memory_space<vmem>> -> memref<1x16x768xf32, #tpu.memory_space<vmem>>
        %dma_wait3A_257 = tpu.memref_squeeze %dma_wait3A_256 : memref<1x16x768xf32, #tpu.memory_space<vmem>> -> memref<16x768xf32, #tpu.memory_space<vmem>>
        %dma_wait3A_258 = arith.constant 0 : i32
        %dma_wait3A_259 = tpu.memref_slice %arg5[%add3A_253, %dma_wait3A_258] : memref<78848x768xf32, #tpu.memory_space<hbm>> -> memref<16x768xf32, #tpu.memory_space<hbm>>
        %dma_wait3A_260 = arith.constant 0 : i32
        %dma_wait3A_261 = tpu.memref_slice %arg5[%add3A_253, %dma_wait3A_260] : memref<78848x768xf32, #tpu.memory_space<hbm>> -> memref<16x768xf32, #tpu.memory_space<hbm>>
        %dma_wait3A_262 = arith.constant 16 : i32
        %dma_wait3A_263 = arith.constant 0 : i32
        %dma_wait3A_264 = tpu.memref_slice %arg8[%rem3A_231, %dma_wait3A_262, %dma_wait3A_263] : memref<4x32x768xf32, #tpu.memory_space<vmem>> -> memref<1x16x768xf32, #tpu.memory_space<vmem>>
        %dma_wait3A_265 = tpu.memref_squeeze %dma_wait3A_264 : memref<1x16x768xf32, #tpu.memory_space<vmem>> -> memref<16x768xf32, #tpu.memory_space<vmem>>
        tpu.wait_dma2 semaphore(%arg11 : memref<!tpu.dma_semaphore, #tpu.memory_space<semaphore_mem>>) src(%dma_wait3A_265 : memref<16x768xf32, #tpu.memory_space<vmem>>) dst(%dma_wait3A_261 : memref<16x768xf32, #tpu.memory_space<hbm>>)
      } else {
      }
      %add3A_138 = arith.constant 4 : i32
      %add3A_139 = arith.addi %scan3A_134, %add3A_138 : i32
      %sub3A = arith.constant 1 : i32
      %sub3A_140 = arith.subi %add3A_139, %sub3A : i32
      %lt3A = arith.constant 77 : i32
      %lt3A_141 = arith.cmpi slt, %sub3A_140, %lt3A : i32
      %convert_element_type3A_142 = arith.extui %lt3A_141 : i1 to i32
      %cond3A_143 = arith.constant 0 : i32
      %cond3A_144 = arith.cmpi ne, %convert_element_type3A_142, %cond3A_143 : i32
      scf.if %cond3A_144 {
        %add3A_228 = arith.constant 4 : i32
        %add3A_229 = arith.addi %scan3A_134, %add3A_228 : i32
        %sub3A_230 = arith.constant 1 : i32
        %sub3A_231 = arith.subi %add3A_229, %sub3A_230 : i32
        %rem3A_232 = arith.constant 4 : i32
        %rem3A_233 = arith.remsi %sub3A_231, %rem3A_232 : i32
        %dma_start3A_234 = arith.constant 0 : i32
        %dma_start3A_235 = arith.constant 0 : i32
        %dma_start3A_236 = tpu.memref_slice %arg8[%rem3A_233, %dma_start3A_234, %dma_start3A_235] : memref<4x32x768xf32, #tpu.memory_space<vmem>> -> memref<1x32x768xf32, #tpu.memory_space<vmem>>
        %dma_start3A_237 = tpu.memref_squeeze %dma_start3A_236 : memref<1x32x768xf32, #tpu.memory_space<vmem>> -> memref<32x768xf32, #tpu.memory_space<vmem>>
        %dma_start3A_238 = arith.constant 0 : i32
        %dma_start3A_239 = tpu.memref_slice %arg6[%sub3A_231, %dma_start3A_238] : memref<77x32xi32, #tpu.memory_space<vmem>> -> memref<1x32xi32, #tpu.memory_space<vmem>>
        %dma_start3A_240 = tpu.memref_squeeze %dma_start3A_239 : memref<1x32xi32, #tpu.memory_space<vmem>> -> memref<32xi32, #tpu.memory_space<vmem>>
        %dma_start3A_241 = arith.constant 0 : i32
        %dma_start3A_242 = arith.constant 0 : i32
        %dma_start3A_243 = tpu.memref_slice %arg2[%dma_start3A_241, %dma_start3A_242] : memref<49408x768xf32, #tpu.memory_space<hbm>> -> memref<49408x768xf32, #tpu.memory_space<hbm>>
        tpu.enqueue_indirect_dma source(%dma_start3A_243 : memref<49408x768xf32, #tpu.memory_space<hbm>>) target(%dma_start3A_237 : memref<32x768xf32, #tpu.memory_space<vmem>>) offsets(%dma_start3A_240 : memref<32xi32, #tpu.memory_space<vmem>>) semaphore(%arg9 : memref<!tpu.dma_semaphore, #tpu.memory_space<semaphore_mem>>)
        %dma_start3A_244 = arith.constant 0 : i32
        %dma_start3A_245 = arith.constant 0 : i32
        %dma_start3A_246 = tpu.memref_slice %arg7[%rem3A_233, %dma_start3A_244, %dma_start3A_245] : memref<4x1x768xf32, #tpu.memory_space<vmem>> -> memref<1x1x768xf32, #tpu.memory_space<vmem>>
        %dma_start3A_247 = tpu.memref_squeeze %dma_start3A_246 : memref<1x1x768xf32, #tpu.memory_space<vmem>> -> memref<1x768xf32, #tpu.memory_space<vmem>>
        %dma_start3A_248 = arith.constant 0 : i32
        %dma_start3A_249 = arith.constant 0 : i32
        %dma_start3A_250 = tpu.memref_slice %arg4[%sub3A_231, %dma_start3A_248, %dma_start3A_249] : memref<77x1x768xf32, #tpu.memory_space<hbm>> -> memref<1x1x768xf32, #tpu.memory_space<hbm>>
        %dma_start3A_251 = tpu.memref_squeeze %dma_start3A_250 : memref<1x1x768xf32, #tpu.memory_space<hbm>> -> memref<1x768xf32, #tpu.memory_space<hbm>>
        %dma_start3A_252 = arith.constant 0 : i32
        %dma_start3A_253 = arith.constant 0 : i32
        %dma_start3A_254 = tpu.memref_slice %arg7[%rem3A_233, %dma_start3A_252, %dma_start3A_253] : memref<4x1x768xf32, #tpu.memory_space<vmem>> -> memref<1x1x768xf32, #tpu.memory_space<vmem>>
        %dma_start3A_255 = tpu.memref_squeeze %dma_start3A_254 : memref<1x1x768xf32, #tpu.memory_space<vmem>> -> memref<1x768xf32, #tpu.memory_space<vmem>>
        %dma_start3A_256 = arith.constant 0 : i32
        %dma_start3A_257 = arith.constant 0 : i32
        %dma_start3A_258 = tpu.memref_slice %arg4[%sub3A_231, %dma_start3A_256, %dma_start3A_257] : memref<77x1x768xf32, #tpu.memory_space<hbm>> -> memref<1x1x768xf32, #tpu.memory_space<hbm>>
        %dma_start3A_259 = tpu.memref_squeeze %dma_start3A_258 : memref<1x1x768xf32, #tpu.memory_space<hbm>> -> memref<1x768xf32, #tpu.memory_space<hbm>>
        tpu.enqueue_dma source(%dma_start3A_259 : memref<1x768xf32, #tpu.memory_space<hbm>>) target(%dma_start3A_255 : memref<1x768xf32, #tpu.memory_space<vmem>>) target_semaphore(%arg10 : memref<!tpu.dma_semaphore, #tpu.memory_space<semaphore_mem>>)
      } else {
      }
      %rem3A_145 = arith.constant 4 : i32
      %rem3A_146 = arith.remsi %scan3A_134, %rem3A_145 : i32
      %dma_wait3A_147 = arith.constant 0 : i32
      %dma_wait3A_148 = arith.constant 0 : i32
      %dma_wait3A_149 = tpu.memref_slice %arg8[%rem3A_146, %dma_wait3A_147, %dma_wait3A_148] : memref<4x32x768xf32, #tpu.memory_space<vmem>> -> memref<1x32x768xf32, #tpu.memory_space<vmem>>
      %dma_wait3A_150 = tpu.memref_squeeze %dma_wait3A_149 : memref<1x32x768xf32, #tpu.memory_space<vmem>> -> memref<32x768xf32, #tpu.memory_space<vmem>>
      %dma_wait3A_151 = arith.constant 0 : i32
      %dma_wait3A_152 = tpu.memref_slice %arg6[%scan3A_134, %dma_wait3A_151] : memref<77x32xi32, #tpu.memory_space<vmem>> -> memref<1x32xi32, #tpu.memory_space<vmem>>
      %dma_wait3A_153 = tpu.memref_squeeze %dma_wait3A_152 : memref<1x32xi32, #tpu.memory_space<vmem>> -> memref<32xi32, #tpu.memory_space<vmem>>
      %dma_wait3A_154 = arith.constant 0 : i32
      %dma_wait3A_155 = arith.constant 0 : i32
      %dma_wait3A_156 = tpu.memref_slice %arg2[%dma_wait3A_154, %dma_wait3A_155] : memref<49408x768xf32, #tpu.memory_space<hbm>> -> memref<49408x768xf32, #tpu.memory_space<hbm>>
      tpu.wait_indirect_dma semaphore(%arg9 : memref<!tpu.dma_semaphore, #tpu.memory_space<semaphore_mem>>) src(%dma_wait3A_156 : memref<49408x768xf32, #tpu.memory_space<hbm>>) dst(%dma_wait3A_150 : memref<32x768xf32, #tpu.memory_space<vmem>>)
      %dma_wait3A_157 = arith.constant 0 : i32
      %dma_wait3A_158 = arith.constant 0 : i32
      %dma_wait3A_159 = tpu.memref_slice %arg7[%rem3A_146, %dma_wait3A_157, %dma_wait3A_158] : memref<4x1x768xf32, #tpu.memory_space<vmem>> -> memref<1x1x768xf32, #tpu.memory_space<vmem>>
      %dma_wait3A_160 = tpu.memref_squeeze %dma_wait3A_159 : memref<1x1x768xf32, #tpu.memory_space<vmem>> -> memref<1x768xf32, #tpu.memory_space<vmem>>
      %dma_wait3A_161 = arith.constant 0 : i32
      %dma_wait3A_162 = arith.constant 0 : i32
      %dma_wait3A_163 = tpu.memref_slice %arg4[%scan3A_134, %dma_wait3A_161, %dma_wait3A_162] : memref<77x1x768xf32, #tpu.memory_space<hbm>> -> memref<1x1x768xf32, #tpu.memory_space<hbm>>
      %dma_wait3A_164 = tpu.memref_squeeze %dma_wait3A_163 : memref<1x1x768xf32, #tpu.memory_space<hbm>> -> memref<1x768xf32, #tpu.memory_space<hbm>>
      %dma_wait3A_165 = arith.constant 0 : i32
      %dma_wait3A_166 = arith.constant 0 : i32
      %dma_wait3A_167 = tpu.memref_slice %arg7[%rem3A_146, %dma_wait3A_165, %dma_wait3A_166] : memref<4x1x768xf32, #tpu.memory_space<vmem>> -> memref<1x1x768xf32, #tpu.memory_space<vmem>>
      %dma_wait3A_168 = tpu.memref_squeeze %dma_wait3A_167 : memref<1x1x768xf32, #tpu.memory_space<vmem>> -> memref<1x768xf32, #tpu.memory_space<vmem>>
      %dma_wait3A_169 = arith.constant 0 : i32
      %dma_wait3A_170 = arith.constant 0 : i32
      %dma_wait3A_171 = tpu.memref_slice %arg4[%scan3A_134, %dma_wait3A_169, %dma_wait3A_170] : memref<77x1x768xf32, #tpu.memory_space<hbm>> -> memref<1x1x768xf32, #tpu.memory_space<hbm>>
      %dma_wait3A_172 = tpu.memref_squeeze %dma_wait3A_171 : memref<1x1x768xf32, #tpu.memory_space<hbm>> -> memref<1x768xf32, #tpu.memory_space<hbm>>
      tpu.wait_dma2 semaphore(%arg10 : memref<!tpu.dma_semaphore, #tpu.memory_space<semaphore_mem>>) src(%dma_wait3A_172 : memref<1x768xf32, #tpu.memory_space<hbm>>) dst(%dma_wait3A_168 : memref<1x768xf32, #tpu.memory_space<vmem>>)
      %rem3A_173 = arith.constant 4 : i32
      %rem3A_174 = arith.remsi %scan3A_134, %rem3A_173 : i32
      %scan3A_175 = arith.constant 0 : i32
      %scan3A_176 = arith.constant 0 : i32
      %scan3A_177 = arith.constant 48 : i32
      %scan3A_178 = arith.addi %scan3A_176, %scan3A_177 : i32
      %scan3A_179 = arith.constant 1 : i32
      %scan3A_180 = scf.for %scan3A_228 = %scan3A_176 to %scan3A_178 step %scan3A_179 iter_args(%scan3A_229 = %scan3A_175) -> (i32)  : i32 {
        %mul3A_230 = arith.constant 16 : i32
        %mul3A_231 = arith.muli %scan3A_228, %mul3A_230 : i32
        %get3A = arith.constant 0 : i32
        %get3A_232 = arith.index_cast %rem3A_174 : i32 to index
        %get3A_233 = arith.index_cast %get3A : i32 to index
        %get3A_234 = arith.index_cast %mul3A_231 : i32 to index
        %get3A_235 = tpu.vector_load %arg7[%get3A_232, %get3A_233, %get3A_234] {strides = array<i32>} : memref<4x1x768xf32, #tpu.memory_space<vmem>>, vector<1x1x16xf32>,
        %get3A_236 = vector.shape_cast %get3A_235 : vector<1x1x16xf32> to vector<16xf32>
        %get3A_237 = arith.constant 0 : i32
        %get3A_238 = arith.index_cast %rem3A_174 : i32 to index
        %get3A_239 = arith.index_cast %get3A_237 : i32 to index
        %get3A_240 = arith.index_cast %mul3A_231 : i32 to index
        %get3A_241 = tpu.vector_load %arg8[%get3A_238, %get3A_239, %get3A_240] {strides = array<i32>} : memref<4x32x768xf32, #tpu.memory_space<vmem>>, vector<1x1x16xf32>,
        %get3A_242 = vector.shape_cast %get3A_241 : vector<1x1x16xf32> to vector<16xf32>
        %add3A_243 = arith.addf %get3A_242, %get3A_236 : vector<16xf32>
        %swap3A = arith.constant 0 : i32
        %swap3A_244 = arith.index_cast %rem3A_174 : i32 to index
        %swap3A_245 = arith.index_cast %swap3A : i32 to index
        %swap3A_246 = arith.index_cast %mul3A_231 : i32 to index
        %swap3A_247 = tpu.vector_load %arg8[%swap3A_244, %swap3A_245, %swap3A_246] {strides = array<i32>} : memref<4x32x768xf32, #tpu.memory_space<vmem>>, vector<1x1x16xf32>,
        %swap3A_248 = vector.shape_cast %swap3A_247 : vector<1x1x16xf32> to vector<16xf32>
        %swap3A_249 = vector.shape_cast %add3A_243 : vector<16xf32> to vector<1x1x16xf32>
        tpu.vector_store %arg8[%swap3A_244, %swap3A_245, %swap3A_246], %swap3A_249 {strides = array<i32>} : memref<4x32x768xf32, #tpu.memory_space<vmem>>, vector<1x1x16xf32>,
        %get3A_250 = arith.constant 1 : i32
        %get3A_251 = arith.index_cast %rem3A_174 : i32 to index
        %get3A_252 = arith.index_cast %get3A_250 : i32 to index
        %get3A_253 = arith.index_cast %mul3A_231 : i32 to index
        %get3A_254 = tpu.vector_load %arg8[%get3A_251, %get3A_252, %get3A_253] {strides = array<i32>} : memref<4x32x768xf32, #tpu.memory_space<vmem>>, vector<1x1x16xf32>,
        %get3A_255 = vector.shape_cast %get3A_254 : vector<1x1x16xf32> to vector<16xf32>
        %add3A_256 = arith.addf %get3A_255, %get3A_236 : vector<16xf32>
        %swap3A_257 = arith.constant 1 : i32
        %swap3A_258 = arith.index_cast %rem3A_174 : i32 to index
        %swap3A_259 = arith.index_cast %swap3A_257 : i32 to index
        %swap3A_260 = arith.index_cast %mul3A_231 : i32 to index
        %swap3A_261 = tpu.vector_load %arg8[%swap3A_258, %swap3A_259, %swap3A_260] {strides = array<i32>} : memref<4x32x768xf32, #tpu.memory_space<vmem>>, vector<1x1x16xf32>,
        %swap3A_262 = vector.shape_cast %swap3A_261 : vector<1x1x16xf32> to vector<16xf32>
        %swap3A_263 = vector.shape_cast %add3A_256 : vector<16xf32> to vector<1x1x16xf32>
        tpu.vector_store %arg8[%swap3A_258, %swap3A_259, %swap3A_260], %swap3A_263 {strides = array<i32>} : memref<4x32x768xf32, #tpu.memory_space<vmem>>, vector<1x1x16xf32>,
        %get3A_264 = arith.constant 2 : i32
        %get3A_265 = arith.index_cast %rem3A_174 : i32 to index
        %get3A_266 = arith.index_cast %get3A_264 : i32 to index
        %get3A_267 = arith.index_cast %mul3A_231 : i32 to index
        %get3A_268 = tpu.vector_load %arg8[%get3A_265, %get3A_266, %get3A_267] {strides = array<i32>} : memref<4x32x768xf32, #tpu.memory_space<vmem>>, vector<1x1x16xf32>,
        %get3A_269 = vector.shape_cast %get3A_268 : vector<1x1x16xf32> to vector<16xf32>
        %add3A_270 = arith.addf %get3A_269, %get3A_236 : vector<16xf32>
        %swap3A_271 = arith.constant 2 : i32
        %swap3A_272 = arith.index_cast %rem3A_174 : i32 to index
        %swap3A_273 = arith.index_cast %swap3A_271 : i32 to index
        %swap3A_274 = arith.index_cast %mul3A_231 : i32 to index
        %swap3A_275 = tpu.vector_load %arg8[%swap3A_272, %swap3A_273, %swap3A_274] {strides = array<i32>} : memref<4x32x768xf32, #tpu.memory_space<vmem>>, vector<1x1x16xf32>,
        %swap3A_276 = vector.shape_cast %swap3A_275 : vector<1x1x16xf32> to vector<16xf32>
        %swap3A_277 = vector.shape_cast %add3A_270 : vector<16xf32> to vector<1x1x16xf32>
        tpu.vector_store %arg8[%swap3A_272, %swap3A_273, %swap3A_274], %swap3A_277 {strides = array<i32>} : memref<4x32x768xf32, #tpu.memory_space<vmem>>, vector<1x1x16xf32>,
        %get3A_278 = arith.constant 3 : i32
        %get3A_279 = arith.index_cast %rem3A_174 : i32 to index
        %get3A_280 = arith.index_cast %get3A_278 : i32 to index
        %get3A_281 = arith.index_cast %mul3A_231 : i32 to index
        %get3A_282 = tpu.vector_load %arg8[%get3A_279, %get3A_280, %get3A_281] {strides = array<i32>} : memref<4x32x768xf32, #tpu.memory_space<vmem>>, vector<1x1x16xf32>,
        %get3A_283 = vector.shape_cast %get3A_282 : vector<1x1x16xf32> to vector<16xf32>
        %add3A_284 = arith.addf %get3A_283, %get3A_236 : vector<16xf32>
        %swap3A_285 = arith.constant 3 : i32
        %swap3A_286 = arith.index_cast %rem3A_174 : i32 to index
        %swap3A_287 = arith.index_cast %swap3A_285 : i32 to index
        %swap3A_288 = arith.index_cast %mul3A_231 : i32 to index
        %swap3A_289 = tpu.vector_load %arg8[%swap3A_286, %swap3A_287, %swap3A_288] {strides = array<i32>} : memref<4x32x768xf32, #tpu.memory_space<vmem>>, vector<1x1x16xf32>,
        %swap3A_290 = vector.shape_cast %swap3A_289 : vector<1x1x16xf32> to vector<16xf32>
        %swap3A_291 = vector.shape_cast %add3A_284 : vector<16xf32> to vector<1x1x16xf32>
        tpu.vector_store %arg8[%swap3A_286, %swap3A_287, %swap3A_288], %swap3A_291 {strides = array<i32>} : memref<4x32x768xf32, #tpu.memory_space<vmem>>, vector<1x1x16xf32>,
        %get3A_292 = arith.constant 4 : i32
        %get3A_293 = arith.index_cast %rem3A_174 : i32 to index
        %get3A_294 = arith.index_cast %get3A_292 : i32 to index
        %get3A_295 = arith.index_cast %mul3A_231 : i32 to index
        %get3A_296 = tpu.vector_load %arg8[%get3A_293, %get3A_294, %get3A_295] {strides = array<i32>} : memref<4x32x768xf32, #tpu.memory_space<vmem>>, vector<1x1x16xf32>,
        %get3A_297 = vector.shape_cast %get3A_296 : vector<1x1x16xf32> to vector<16xf32>
        %add3A_298 = arith.addf %get3A_297, %get3A_236 : vector<16xf32>
        %swap3A_299 = arith.constant 4 : i32
        %swap3A_300 = arith.index_cast %rem3A_174 : i32 to index
        %swap3A_301 = arith.index_cast %swap3A_299 : i32 to index
        %swap3A_302 = arith.index_cast %mul3A_231 : i32 to index
        %swap3A_303 = tpu.vector_load %arg8[%swap3A_300, %swap3A_301, %swap3A_302] {strides = array<i32>} : memref<4x32x768xf32, #tpu.memory_space<vmem>>, vector<1x1x16xf32>,
        %swap3A_304 = vector.shape_cast %swap3A_303 : vector<1x1x16xf32> to vector<16xf32>
        %swap3A_305 = vector.shape_cast %add3A_298 : vector<16xf32> to vector<1x1x16xf32>
        tpu.vector_store %arg8[%swap3A_300, %swap3A_301, %swap3A_302], %swap3A_305 {strides = array<i32>} : memref<4x32x768xf32, #tpu.memory_space<vmem>>, vector<1x1x16xf32>,
        %get3A_306 = arith.constant 5 : i32
        %get3A_307 = arith.index_cast %rem3A_174 : i32 to index
        %get3A_308 = arith.index_cast %get3A_306 : i32 to index
        %get3A_309 = arith.index_cast %mul3A_231 : i32 to index
        %get3A_310 = tpu.vector_load %arg8[%get3A_307, %get3A_308, %get3A_309] {strides = array<i32>} : memref<4x32x768xf32, #tpu.memory_space<vmem>>, vector<1x1x16xf32>,
        %get3A_311 = vector.shape_cast %get3A_310 : vector<1x1x16xf32> to vector<16xf32>
        %add3A_312 = arith.addf %get3A_311, %get3A_236 : vector<16xf32>
        %swap3A_313 = arith.constant 5 : i32
        %swap3A_314 = arith.index_cast %rem3A_174 : i32 to index
        %swap3A_315 = arith.index_cast %swap3A_313 : i32 to index
        %swap3A_316 = arith.index_cast %mul3A_231 : i32 to index
        %swap3A_317 = tpu.vector_load %arg8[%swap3A_314, %swap3A_315, %swap3A_316] {strides = array<i32>} : memref<4x32x768xf32, #tpu.memory_space<vmem>>, vector<1x1x16xf32>,
        %swap3A_318 = vector.shape_cast %swap3A_317 : vector<1x1x16xf32> to vector<16xf32>
        %swap3A_319 = vector.shape_cast %add3A_312 : vector<16xf32> to vector<1x1x16xf32>
        tpu.vector_store %arg8[%swap3A_314, %swap3A_315, %swap3A_316], %swap3A_319 {strides = array<i32>} : memref<4x32x768xf32, #tpu.memory_space<vmem>>, vector<1x1x16xf32>,
        %get3A_320 = arith.constant 6 : i32
        %get3A_321 = arith.index_cast %rem3A_174 : i32 to index
        %get3A_322 = arith.index_cast %get3A_320 : i32 to index
        %get3A_323 = arith.index_cast %mul3A_231 : i32 to index
        %get3A_324 = tpu.vector_load %arg8[%get3A_321, %get3A_322, %get3A_323] {strides = array<i32>} : memref<4x32x768xf32, #tpu.memory_space<vmem>>, vector<1x1x16xf32>,
        %get3A_325 = vector.shape_cast %get3A_324 : vector<1x1x16xf32> to vector<16xf32>
        %add3A_326 = arith.addf %get3A_325, %get3A_236 : vector<16xf32>
        %swap3A_327 = arith.constant 6 : i32
        %swap3A_328 = arith.index_cast %rem3A_174 : i32 to index
        %swap3A_329 = arith.index_cast %swap3A_327 : i32 to index
        %swap3A_330 = arith.index_cast %mul3A_231 : i32 to index
        %swap3A_331 = tpu.vector_load %arg8[%swap3A_328, %swap3A_329, %swap3A_330] {strides = array<i32>} : memref<4x32x768xf32, #tpu.memory_space<vmem>>, vector<1x1x16xf32>,
        %swap3A_332 = vector.shape_cast %swap3A_331 : vector<1x1x16xf32> to vector<16xf32>
        %swap3A_333 = vector.shape_cast %add3A_326 : vector<16xf32> to vector<1x1x16xf32>
        tpu.vector_store %arg8[%swap3A_328, %swap3A_329, %swap3A_330], %swap3A_333 {strides = array<i32>} : memref<4x32x768xf32, #tpu.memory_space<vmem>>, vector<1x1x16xf32>,
        %get3A_334 = arith.constant 7 : i32
        %get3A_335 = arith.index_cast %rem3A_174 : i32 to index
        %get3A_336 = arith.index_cast %get3A_334 : i32 to index
        %get3A_337 = arith.index_cast %mul3A_231 : i32 to index
        %get3A_338 = tpu.vector_load %arg8[%get3A_335, %get3A_336, %get3A_337] {strides = array<i32>} : memref<4x32x768xf32, #tpu.memory_space<vmem>>, vector<1x1x16xf32>,
        %get3A_339 = vector.shape_cast %get3A_338 : vector<1x1x16xf32> to vector<16xf32>
        %add3A_340 = arith.addf %get3A_339, %get3A_236 : vector<16xf32>
        %swap3A_341 = arith.constant 7 : i32
        %swap3A_342 = arith.index_cast %rem3A_174 : i32 to index
        %swap3A_343 = arith.index_cast %swap3A_341 : i32 to index
        %swap3A_344 = arith.index_cast %mul3A_231 : i32 to index
        %swap3A_345 = tpu.vector_load %arg8[%swap3A_342, %swap3A_343, %swap3A_344] {strides = array<i32>} : memref<4x32x768xf32, #tpu.memory_space<vmem>>, vector<1x1x16xf32>,
        %swap3A_346 = vector.shape_cast %swap3A_345 : vector<1x1x16xf32> to vector<16xf32>
        %swap3A_347 = vector.shape_cast %add3A_340 : vector<16xf32> to vector<1x1x16xf32>
        tpu.vector_store %arg8[%swap3A_342, %swap3A_343, %swap3A_344], %swap3A_347 {strides = array<i32>} : memref<4x32x768xf32, #tpu.memory_space<vmem>>, vector<1x1x16xf32>,
        %get3A_348 = arith.constant 8 : i32
        %get3A_349 = arith.index_cast %rem3A_174 : i32 to index
        %get3A_350 = arith.index_cast %get3A_348 : i32 to index
        %get3A_351 = arith.index_cast %mul3A_231 : i32 to index
        %get3A_352 = tpu.vector_load %arg8[%get3A_349, %get3A_350, %get3A_351] {strides = array<i32>} : memref<4x32x768xf32, #tpu.memory_space<vmem>>, vector<1x1x16xf32>,
        %get3A_353 = vector.shape_cast %get3A_352 : vector<1x1x16xf32> to vector<16xf32>
        %add3A_354 = arith.addf %get3A_353, %get3A_236 : vector<16xf32>
        %swap3A_355 = arith.constant 8 : i32
        %swap3A_356 = arith.index_cast %rem3A_174 : i32 to index
        %swap3A_357 = arith.index_cast %swap3A_355 : i32 to index
        %swap3A_358 = arith.index_cast %mul3A_231 : i32 to index
        %swap3A_359 = tpu.vector_load %arg8[%swap3A_356, %swap3A_357, %swap3A_358] {strides = array<i32>} : memref<4x32x768xf32, #tpu.memory_space<vmem>>, vector<1x1x16xf32>,
        %swap3A_360 = vector.shape_cast %swap3A_359 : vector<1x1x16xf32> to vector<16xf32>
        %swap3A_361 = vector.shape_cast %add3A_354 : vector<16xf32> to vector<1x1x16xf32>
        tpu.vector_store %arg8[%swap3A_356, %swap3A_357, %swap3A_358], %swap3A_361 {strides = array<i32>} : memref<4x32x768xf32, #tpu.memory_space<vmem>>, vector<1x1x16xf32>,
        %get3A_362 = arith.constant 9 : i32
        %get3A_363 = arith.index_cast %rem3A_174 : i32 to index
        %get3A_364 = arith.index_cast %get3A_362 : i32 to index
        %get3A_365 = arith.index_cast %mul3A_231 : i32 to index
        %get3A_366 = tpu.vector_load %arg8[%get3A_363, %get3A_364, %get3A_365] {strides = array<i32>} : memref<4x32x768xf32, #tpu.memory_space<vmem>>, vector<1x1x16xf32>,
        %get3A_367 = vector.shape_cast %get3A_366 : vector<1x1x16xf32> to vector<16xf32>
        %add3A_368 = arith.addf %get3A_367, %get3A_236 : vector<16xf32>
        %swap3A_369 = arith.constant 9 : i32
        %swap3A_370 = arith.index_cast %rem3A_174 : i32 to index
        %swap3A_371 = arith.index_cast %swap3A_369 : i32 to index
        %swap3A_372 = arith.index_cast %mul3A_231 : i32 to index
        %swap3A_373 = tpu.vector_load %arg8[%swap3A_370, %swap3A_371, %swap3A_372] {strides = array<i32>} : memref<4x32x768xf32, #tpu.memory_space<vmem>>, vector<1x1x16xf32>,
        %swap3A_374 = vector.shape_cast %swap3A_373 : vector<1x1x16xf32> to vector<16xf32>
        %swap3A_375 = vector.shape_cast %add3A_368 : vector<16xf32> to vector<1x1x16xf32>
        tpu.vector_store %arg8[%swap3A_370, %swap3A_371, %swap3A_372], %swap3A_375 {strides = array<i32>} : memref<4x32x768xf32, #tpu.memory_space<vmem>>, vector<1x1x16xf32>,
        %get3A_376 = arith.constant 10 : i32
        %get3A_377 = arith.index_cast %rem3A_174 : i32 to index
        %get3A_378 = arith.index_cast %get3A_376 : i32 to index
        %get3A_379 = arith.index_cast %mul3A_231 : i32 to index
        %get3A_380 = tpu.vector_load %arg8[%get3A_377, %get3A_378, %get3A_379] {strides = array<i32>} : memref<4x32x768xf32, #tpu.memory_space<vmem>>, vector<1x1x16xf32>,
        %get3A_381 = vector.shape_cast %get3A_380 : vector<1x1x16xf32> to vector<16xf32>
        %add3A_382 = arith.addf %get3A_381, %get3A_236 : vector<16xf32>
        %swap3A_383 = arith.constant 10 : i32
        %swap3A_384 = arith.index_cast %rem3A_174 : i32 to index
        %swap3A_385 = arith.index_cast %swap3A_383 : i32 to index
        %swap3A_386 = arith.index_cast %mul3A_231 : i32 to index
        %swap3A_387 = tpu.vector_load %arg8[%swap3A_384, %swap3A_385, %swap3A_386] {strides = array<i32>} : memref<4x32x768xf32, #tpu.memory_space<vmem>>, vector<1x1x16xf32>,
        %swap3A_388 = vector.shape_cast %swap3A_387 : vector<1x1x16xf32> to vector<16xf32>
        %swap3A_389 = vector.shape_cast %add3A_382 : vector<16xf32> to vector<1x1x16xf32>
        tpu.vector_store %arg8[%swap3A_384, %swap3A_385, %swap3A_386], %swap3A_389 {strides = array<i32>} : memref<4x32x768xf32, #tpu.memory_space<vmem>>, vector<1x1x16xf32>,
        %get3A_390 = arith.constant 11 : i32
        %get3A_391 = arith.index_cast %rem3A_174 : i32 to index
        %get3A_392 = arith.index_cast %get3A_390 : i32 to index
        %get3A_393 = arith.index_cast %mul3A_231 : i32 to index
        %get3A_394 = tpu.vector_load %arg8[%get3A_391, %get3A_392, %get3A_393] {strides = array<i32>} : memref<4x32x768xf32, #tpu.memory_space<vmem>>, vector<1x1x16xf32>,
        %get3A_395 = vector.shape_cast %get3A_394 : vector<1x1x16xf32> to vector<16xf32>
        %add3A_396 = arith.addf %get3A_395, %get3A_236 : vector<16xf32>
        %swap3A_397 = arith.constant 11 : i32
        %swap3A_398 = arith.index_cast %rem3A_174 : i32 to index
        %swap3A_399 = arith.index_cast %swap3A_397 : i32 to index
        %swap3A_400 = arith.index_cast %mul3A_231 : i32 to index
        %swap3A_401 = tpu.vector_load %arg8[%swap3A_398, %swap3A_399, %swap3A_400] {strides = array<i32>} : memref<4x32x768xf32, #tpu.memory_space<vmem>>, vector<1x1x16xf32>,
        %swap3A_402 = vector.shape_cast %swap3A_401 : vector<1x1x16xf32> to vector<16xf32>
        %swap3A_403 = vector.shape_cast %add3A_396 : vector<16xf32> to vector<1x1x16xf32>
        tpu.vector_store %arg8[%swap3A_398, %swap3A_399, %swap3A_400], %swap3A_403 {strides = array<i32>} : memref<4x32x768xf32, #tpu.memory_space<vmem>>, vector<1x1x16xf32>,
        %get3A_404 = arith.constant 12 : i32
        %get3A_405 = arith.index_cast %rem3A_174 : i32 to index
        %get3A_406 = arith.index_cast %get3A_404 : i32 to index
        %get3A_407 = arith.index_cast %mul3A_231 : i32 to index
        %get3A_408 = tpu.vector_load %arg8[%get3A_405, %get3A_406, %get3A_407] {strides = array<i32>} : memref<4x32x768xf32, #tpu.memory_space<vmem>>, vector<1x1x16xf32>,
        %get3A_409 = vector.shape_cast %get3A_408 : vector<1x1x16xf32> to vector<16xf32>
        %add3A_410 = arith.addf %get3A_409, %get3A_236 : vector<16xf32>
        %swap3A_411 = arith.constant 12 : i32
        %swap3A_412 = arith.index_cast %rem3A_174 : i32 to index
        %swap3A_413 = arith.index_cast %swap3A_411 : i32 to index
        %swap3A_414 = arith.index_cast %mul3A_231 : i32 to index
        %swap3A_415 = tpu.vector_load %arg8[%swap3A_412, %swap3A_413, %swap3A_414] {strides = array<i32>} : memref<4x32x768xf32, #tpu.memory_space<vmem>>, vector<1x1x16xf32>,
        %swap3A_416 = vector.shape_cast %swap3A_415 : vector<1x1x16xf32> to vector<16xf32>
        %swap3A_417 = vector.shape_cast %add3A_410 : vector<16xf32> to vector<1x1x16xf32>
        tpu.vector_store %arg8[%swap3A_412, %swap3A_413, %swap3A_414], %swap3A_417 {strides = array<i32>} : memref<4x32x768xf32, #tpu.memory_space<vmem>>, vector<1x1x16xf32>,
        %get3A_418 = arith.constant 13 : i32
        %get3A_419 = arith.index_cast %rem3A_174 : i32 to index
        %get3A_420 = arith.index_cast %get3A_418 : i32 to index
        %get3A_421 = arith.index_cast %mul3A_231 : i32 to index
        %get3A_422 = tpu.vector_load %arg8[%get3A_419, %get3A_420, %get3A_421] {strides = array<i32>} : memref<4x32x768xf32, #tpu.memory_space<vmem>>, vector<1x1x16xf32>,
        %get3A_423 = vector.shape_cast %get3A_422 : vector<1x1x16xf32> to vector<16xf32>
        %add3A_424 = arith.addf %get3A_423, %get3A_236 : vector<16xf32>
        %swap3A_425 = arith.constant 13 : i32
        %swap3A_426 = arith.index_cast %rem3A_174 : i32 to index
        %swap3A_427 = arith.index_cast %swap3A_425 : i32 to index
        %swap3A_428 = arith.index_cast %mul3A_231 : i32 to index
        %swap3A_429 = tpu.vector_load %arg8[%swap3A_426, %swap3A_427, %swap3A_428] {strides = array<i32>} : memref<4x32x768xf32, #tpu.memory_space<vmem>>, vector<1x1x16xf32>,
        %swap3A_430 = vector.shape_cast %swap3A_429 : vector<1x1x16xf32> to vector<16xf32>
        %swap3A_431 = vector.shape_cast %add3A_424 : vector<16xf32> to vector<1x1x16xf32>
        tpu.vector_store %arg8[%swap3A_426, %swap3A_427, %swap3A_428], %swap3A_431 {strides = array<i32>} : memref<4x32x768xf32, #tpu.memory_space<vmem>>, vector<1x1x16xf32>,
        %get3A_432 = arith.constant 14 : i32
        %get3A_433 = arith.index_cast %rem3A_174 : i32 to index
        %get3A_434 = arith.index_cast %get3A_432 : i32 to index
        %get3A_435 = arith.index_cast %mul3A_231 : i32 to index
        %get3A_436 = tpu.vector_load %arg8[%get3A_433, %get3A_434, %get3A_435] {strides = array<i32>} : memref<4x32x768xf32, #tpu.memory_space<vmem>>, vector<1x1x16xf32>,
        %get3A_437 = vector.shape_cast %get3A_436 : vector<1x1x16xf32> to vector<16xf32>
        %add3A_438 = arith.addf %get3A_437, %get3A_236 : vector<16xf32>
        %swap3A_439 = arith.constant 14 : i32
        %swap3A_440 = arith.index_cast %rem3A_174 : i32 to index
        %swap3A_441 = arith.index_cast %swap3A_439 : i32 to index
        %swap3A_442 = arith.index_cast %mul3A_231 : i32 to index
        %swap3A_443 = tpu.vector_load %arg8[%swap3A_440, %swap3A_441, %swap3A_442] {strides = array<i32>} : memref<4x32x768xf32, #tpu.memory_space<vmem>>, vector<1x1x16xf32>,
        %swap3A_444 = vector.shape_cast %swap3A_443 : vector<1x1x16xf32> to vector<16xf32>
        %swap3A_445 = vector.shape_cast %add3A_438 : vector<16xf32> to vector<1x1x16xf32>
        tpu.vector_store %arg8[%swap3A_440, %swap3A_441, %swap3A_442], %swap3A_445 {strides = array<i32>} : memref<4x32x768xf32, #tpu.memory_space<vmem>>, vector<1x1x16xf32>,
        %get3A_446 = arith.constant 15 : i32
        %get3A_447 = arith.index_cast %rem3A_174 : i32 to index
        %get3A_448 = arith.index_cast %get3A_446 : i32 to index
        %get3A_449 = arith.index_cast %mul3A_231 : i32 to index
        %get3A_450 = tpu.vector_load %arg8[%get3A_447, %get3A_448, %get3A_449] {strides = array<i32>} : memref<4x32x768xf32, #tpu.memory_space<vmem>>, vector<1x1x16xf32>,
        %get3A_451 = vector.shape_cast %get3A_450 : vector<1x1x16xf32> to vector<16xf32>
        %add3A_452 = arith.addf %get3A_451, %get3A_236 : vector<16xf32>
        %swap3A_453 = arith.constant 15 : i32
        %swap3A_454 = arith.index_cast %rem3A_174 : i32 to index
        %swap3A_455 = arith.index_cast %swap3A_453 : i32 to index
        %swap3A_456 = arith.index_cast %mul3A_231 : i32 to index
        %swap3A_457 = tpu.vector_load %arg8[%swap3A_454, %swap3A_455, %swap3A_456] {strides = array<i32>} : memref<4x32x768xf32, #tpu.memory_space<vmem>>, vector<1x1x16xf32>,
        %swap3A_458 = vector.shape_cast %swap3A_457 : vector<1x1x16xf32> to vector<16xf32>
        %swap3A_459 = vector.shape_cast %add3A_452 : vector<16xf32> to vector<1x1x16xf32>
        tpu.vector_store %arg8[%swap3A_454, %swap3A_455, %swap3A_456], %swap3A_459 {strides = array<i32>} : memref<4x32x768xf32, #tpu.memory_space<vmem>>, vector<1x1x16xf32>,
        %scan3A_460 = arith.constant 0 : i32
        scf.yield %scan3A_460 : i32
      }
      %scan3A_181 = arith.constant 48 : i32
      %rem3A_182 = arith.constant 4 : i32
      %rem3A_183 = arith.remsi %scan3A_134, %rem3A_182 : i32
      %mul3A_184 = arith.constant 1024 : i32
      %mul3A_185 = arith.muli %scan3A_134, %mul3A_184 : i32
      %add3A_186 = arith.addi %mul3A_185, %mul3A_2 : i32
      %add3A_187 = arith.constant 0 : i32
      %add3A_188 = arith.addi %add3A_186, %add3A_187 : i32
      %dma_start3A_189 = arith.constant 0 : i32
      %dma_start3A_190 = arith.constant 0 : i32
      %dma_start3A_191 = tpu.memref_slice %arg8[%rem3A_183, %dma_start3A_189, %dma_start3A_190] : memref<4x32x768xf32, #tpu.memory_space<vmem>> -> memref<1x16x768xf32, #tpu.memory_space<vmem>>
      %dma_start3A_192 = tpu.memref_squeeze %dma_start3A_191 : memref<1x16x768xf32, #tpu.memory_space<vmem>> -> memref<16x768xf32, #tpu.memory_space<vmem>>
      %dma_start3A_193 = arith.constant 0 : i32
      %dma_start3A_194 = tpu.memref_slice %arg5[%add3A_188, %dma_start3A_193] : memref<78848x768xf32, #tpu.memory_space<hbm>> -> memref<16x768xf32, #tpu.memory_space<hbm>>
      %dma_start3A_195 = arith.constant 0 : i32
      %dma_start3A_196 = tpu.memref_slice %arg5[%add3A_188, %dma_start3A_195] : memref<78848x768xf32, #tpu.memory_space<hbm>> -> memref<16x768xf32, #tpu.memory_space<hbm>>
      %dma_start3A_197 = arith.constant 0 : i32
      %dma_start3A_198 = arith.constant 0 : i32
      %dma_start3A_199 = tpu.memref_slice %arg8[%rem3A_183, %dma_start3A_197, %dma_start3A_198] : memref<4x32x768xf32, #tpu.memory_space<vmem>> -> memref<1x16x768xf32, #tpu.memory_space<vmem>>
      %dma_start3A_200 = tpu.memref_squeeze %dma_start3A_199 : memref<1x16x768xf32, #tpu.memory_space<vmem>> -> memref<16x768xf32, #tpu.memory_space<vmem>>
      tpu.enqueue_dma source(%dma_start3A_200 : memref<16x768xf32, #tpu.memory_space<vmem>>) target(%dma_start3A_196 : memref<16x768xf32, #tpu.memory_space<hbm>>) target_semaphore(%arg11 : memref<!tpu.dma_semaphore, #tpu.memory_space<semaphore_mem>>)
      %scan3A_201 = arith.constant 0 : i32
      %scan3A_202 = arith.constant 0 : i32
      %scan3A_203 = arith.constant 48 : i32
      %scan3A_204 = arith.addi %scan3A_202, %scan3A_203 : i32
      %scan3A_205 = arith.constant 1 : i32
      %scan3A_206 = scf.for %scan3A_228 = %scan3A_202 to %scan3A_204 step %scan3A_205 iter_args(%scan3A_229 = %scan3A_201) -> (i32)  : i32 {
        %mul3A_230 = arith.constant 16 : i32
        %mul3A_231 = arith.muli %scan3A_228, %mul3A_230 : i32
        %get3A = arith.constant 0 : i32
        %get3A_232 = arith.index_cast %rem3A_174 : i32 to index
        %get3A_233 = arith.index_cast %get3A : i32 to index
        %get3A_234 = arith.index_cast %mul3A_231 : i32 to index
        %get3A_235 = tpu.vector_load %arg7[%get3A_232, %get3A_233, %get3A_234] {strides = array<i32>} : memref<4x1x768xf32, #tpu.memory_space<vmem>>, vector<1x1x16xf32>,
        %get3A_236 = vector.shape_cast %get3A_235 : vector<1x1x16xf32> to vector<16xf32>
        %get3A_237 = arith.constant 16 : i32
        %get3A_238 = arith.index_cast %rem3A_174 : i32 to index
        %get3A_239 = arith.index_cast %get3A_237 : i32 to index
        %get3A_240 = arith.index_cast %mul3A_231 : i32 to index
        %get3A_241 = tpu.vector_load %arg8[%get3A_238, %get3A_239, %get3A_240] {strides = array<i32>} : memref<4x32x768xf32, #tpu.memory_space<vmem>>, vector<1x1x16xf32>,
        %get3A_242 = vector.shape_cast %get3A_241 : vector<1x1x16xf32> to vector<16xf32>
        %add3A_243 = arith.addf %get3A_242, %get3A_236 : vector<16xf32>
        %swap3A = arith.constant 16 : i32
        %swap3A_244 = arith.index_cast %rem3A_174 : i32 to index
        %swap3A_245 = arith.index_cast %swap3A : i32 to index
        %swap3A_246 = arith.index_cast %mul3A_231 : i32 to index
        %swap3A_247 = tpu.vector_load %arg8[%swap3A_244, %swap3A_245, %swap3A_246] {strides = array<i32>} : memref<4x32x768xf32, #tpu.memory_space<vmem>>, vector<1x1x16xf32>,
        %swap3A_248 = vector.shape_cast %swap3A_247 : vector<1x1x16xf32> to vector<16xf32>
        %swap3A_249 = vector.shape_cast %add3A_243 : vector<16xf32> to vector<1x1x16xf32>
        tpu.vector_store %arg8[%swap3A_244, %swap3A_245, %swap3A_246], %swap3A_249 {strides = array<i32>} : memref<4x32x768xf32, #tpu.memory_space<vmem>>, vector<1x1x16xf32>,
        %get3A_250 = arith.constant 17 : i32
        %get3A_251 = arith.index_cast %rem3A_174 : i32 to index
        %get3A_252 = arith.index_cast %get3A_250 : i32 to index
        %get3A_253 = arith.index_cast %mul3A_231 : i32 to index
        %get3A_254 = tpu.vector_load %arg8[%get3A_251, %get3A_252, %get3A_253] {strides = array<i32>} : memref<4x32x768xf32, #tpu.memory_space<vmem>>, vector<1x1x16xf32>,
        %get3A_255 = vector.shape_cast %get3A_254 : vector<1x1x16xf32> to vector<16xf32>
        %add3A_256 = arith.addf %get3A_255, %get3A_236 : vector<16xf32>
        %swap3A_257 = arith.constant 17 : i32
        %swap3A_258 = arith.index_cast %rem3A_174 : i32 to index
        %swap3A_259 = arith.index_cast %swap3A_257 : i32 to index
        %swap3A_260 = arith.index_cast %mul3A_231 : i32 to index
        %swap3A_261 = tpu.vector_load %arg8[%swap3A_258, %swap3A_259, %swap3A_260] {strides = array<i32>} : memref<4x32x768xf32, #tpu.memory_space<vmem>>, vector<1x1x16xf32>,
        %swap3A_262 = vector.shape_cast %swap3A_261 : vector<1x1x16xf32> to vector<16xf32>
        %swap3A_263 = vector.shape_cast %add3A_256 : vector<16xf32> to vector<1x1x16xf32>
        tpu.vector_store %arg8[%swap3A_258, %swap3A_259, %swap3A_260], %swap3A_263 {strides = array<i32>} : memref<4x32x768xf32, #tpu.memory_space<vmem>>, vector<1x1x16xf32>,
        %get3A_264 = arith.constant 18 : i32
        %get3A_265 = arith.index_cast %rem3A_174 : i32 to index
        %get3A_266 = arith.index_cast %get3A_264 : i32 to index
        %get3A_267 = arith.index_cast %mul3A_231 : i32 to index
        %get3A_268 = tpu.vector_load %arg8[%get3A_265, %get3A_266, %get3A_267] {strides = array<i32>} : memref<4x32x768xf32, #tpu.memory_space<vmem>>, vector<1x1x16xf32>,
        %get3A_269 = vector.shape_cast %get3A_268 : vector<1x1x16xf32> to vector<16xf32>
        %add3A_270 = arith.addf %get3A_269, %get3A_236 : vector<16xf32>
        %swap3A_271 = arith.constant 18 : i32
        %swap3A_272 = arith.index_cast %rem3A_174 : i32 to index
        %swap3A_273 = arith.index_cast %swap3A_271 : i32 to index
        %swap3A_274 = arith.index_cast %mul3A_231 : i32 to index
        %swap3A_275 = tpu.vector_load %arg8[%swap3A_272, %swap3A_273, %swap3A_274] {strides = array<i32>} : memref<4x32x768xf32, #tpu.memory_space<vmem>>, vector<1x1x16xf32>,
        %swap3A_276 = vector.shape_cast %swap3A_275 : vector<1x1x16xf32> to vector<16xf32>
        %swap3A_277 = vector.shape_cast %add3A_270 : vector<16xf32> to vector<1x1x16xf32>
        tpu.vector_store %arg8[%swap3A_272, %swap3A_273, %swap3A_274], %swap3A_277 {strides = array<i32>} : memref<4x32x768xf32, #tpu.memory_space<vmem>>, vector<1x1x16xf32>,
        %get3A_278 = arith.constant 19 : i32
        %get3A_279 = arith.index_cast %rem3A_174 : i32 to index
        %get3A_280 = arith.index_cast %get3A_278 : i32 to index
        %get3A_281 = arith.index_cast %mul3A_231 : i32 to index
        %get3A_282 = tpu.vector_load %arg8[%get3A_279, %get3A_280, %get3A_281] {strides = array<i32>} : memref<4x32x768xf32, #tpu.memory_space<vmem>>, vector<1x1x16xf32>,
        %get3A_283 = vector.shape_cast %get3A_282 : vector<1x1x16xf32> to vector<16xf32>
        %add3A_284 = arith.addf %get3A_283, %get3A_236 : vector<16xf32>
        %swap3A_285 = arith.constant 19 : i32
        %swap3A_286 = arith.index_cast %rem3A_174 : i32 to index
        %swap3A_287 = arith.index_cast %swap3A_285 : i32 to index
        %swap3A_288 = arith.index_cast %mul3A_231 : i32 to index
        %swap3A_289 = tpu.vector_load %arg8[%swap3A_286, %swap3A_287, %swap3A_288] {strides = array<i32>} : memref<4x32x768xf32, #tpu.memory_space<vmem>>, vector<1x1x16xf32>,
        %swap3A_290 = vector.shape_cast %swap3A_289 : vector<1x1x16xf32> to vector<16xf32>
        %swap3A_291 = vector.shape_cast %add3A_284 : vector<16xf32> to vector<1x1x16xf32>
        tpu.vector_store %arg8[%swap3A_286, %swap3A_287, %swap3A_288], %swap3A_291 {strides = array<i32>} : memref<4x32x768xf32, #tpu.memory_space<vmem>>, vector<1x1x16xf32>,
        %get3A_292 = arith.constant 20 : i32
        %get3A_293 = arith.index_cast %rem3A_174 : i32 to index
        %get3A_294 = arith.index_cast %get3A_292 : i32 to index
        %get3A_295 = arith.index_cast %mul3A_231 : i32 to index
        %get3A_296 = tpu.vector_load %arg8[%get3A_293, %get3A_294, %get3A_295] {strides = array<i32>} : memref<4x32x768xf32, #tpu.memory_space<vmem>>, vector<1x1x16xf32>,
        %get3A_297 = vector.shape_cast %get3A_296 : vector<1x1x16xf32> to vector<16xf32>
        %add3A_298 = arith.addf %get3A_297, %get3A_236 : vector<16xf32>
        %swap3A_299 = arith.constant 20 : i32
        %swap3A_300 = arith.index_cast %rem3A_174 : i32 to index
        %swap3A_301 = arith.index_cast %swap3A_299 : i32 to index
        %swap3A_302 = arith.index_cast %mul3A_231 : i32 to index
        %swap3A_303 = tpu.vector_load %arg8[%swap3A_300, %swap3A_301, %swap3A_302] {strides = array<i32>} : memref<4x32x768xf32, #tpu.memory_space<vmem>>, vector<1x1x16xf32>,
        %swap3A_304 = vector.shape_cast %swap3A_303 : vector<1x1x16xf32> to vector<16xf32>
        %swap3A_305 = vector.shape_cast %add3A_298 : vector<16xf32> to vector<1x1x16xf32>
        tpu.vector_store %arg8[%swap3A_300, %swap3A_301, %swap3A_302], %swap3A_305 {strides = array<i32>} : memref<4x32x768xf32, #tpu.memory_space<vmem>>, vector<1x1x16xf32>,
        %get3A_306 = arith.constant 21 : i32
        %get3A_307 = arith.index_cast %rem3A_174 : i32 to index
        %get3A_308 = arith.index_cast %get3A_306 : i32 to index
        %get3A_309 = arith.index_cast %mul3A_231 : i32 to index
        %get3A_310 = tpu.vector_load %arg8[%get3A_307, %get3A_308, %get3A_309] {strides = array<i32>} : memref<4x32x768xf32, #tpu.memory_space<vmem>>, vector<1x1x16xf32>,
        %get3A_311 = vector.shape_cast %get3A_310 : vector<1x1x16xf32> to vector<16xf32>
        %add3A_312 = arith.addf %get3A_311, %get3A_236 : vector<16xf32>
        %swap3A_313 = arith.constant 21 : i32
        %swap3A_314 = arith.index_cast %rem3A_174 : i32 to index
        %swap3A_315 = arith.index_cast %swap3A_313 : i32 to index
        %swap3A_316 = arith.index_cast %mul3A_231 : i32 to index
        %swap3A_317 = tpu.vector_load %arg8[%swap3A_314, %swap3A_315, %swap3A_316] {strides = array<i32>} : memref<4x32x768xf32, #tpu.memory_space<vmem>>, vector<1x1x16xf32>,
        %swap3A_318 = vector.shape_cast %swap3A_317 : vector<1x1x16xf32> to vector<16xf32>
        %swap3A_319 = vector.shape_cast %add3A_312 : vector<16xf32> to vector<1x1x16xf32>
        tpu.vector_store %arg8[%swap3A_314, %swap3A_315, %swap3A_316], %swap3A_319 {strides = array<i32>} : memref<4x32x768xf32, #tpu.memory_space<vmem>>, vector<1x1x16xf32>,
        %get3A_320 = arith.constant 22 : i32
        %get3A_321 = arith.index_cast %rem3A_174 : i32 to index
        %get3A_322 = arith.index_cast %get3A_320 : i32 to index
        %get3A_323 = arith.index_cast %mul3A_231 : i32 to index
        %get3A_324 = tpu.vector_load %arg8[%get3A_321, %get3A_322, %get3A_323] {strides = array<i32>} : memref<4x32x768xf32, #tpu.memory_space<vmem>>, vector<1x1x16xf32>,
        %get3A_325 = vector.shape_cast %get3A_324 : vector<1x1x16xf32> to vector<16xf32>
        %add3A_326 = arith.addf %get3A_325, %get3A_236 : vector<16xf32>
        %swap3A_327 = arith.constant 22 : i32
        %swap3A_328 = arith.index_cast %rem3A_174 : i32 to index
        %swap3A_329 = arith.index_cast %swap3A_327 : i32 to index
        %swap3A_330 = arith.index_cast %mul3A_231 : i32 to index
        %swap3A_331 = tpu.vector_load %arg8[%swap3A_328, %swap3A_329, %swap3A_330] {strides = array<i32>} : memref<4x32x768xf32, #tpu.memory_space<vmem>>, vector<1x1x16xf32>,
        %swap3A_332 = vector.shape_cast %swap3A_331 : vector<1x1x16xf32> to vector<16xf32>
        %swap3A_333 = vector.shape_cast %add3A_326 : vector<16xf32> to vector<1x1x16xf32>
        tpu.vector_store %arg8[%swap3A_328, %swap3A_329, %swap3A_330], %swap3A_333 {strides = array<i32>} : memref<4x32x768xf32, #tpu.memory_space<vmem>>, vector<1x1x16xf32>,
        %get3A_334 = arith.constant 23 : i32
        %get3A_335 = arith.index_cast %rem3A_174 : i32 to index
        %get3A_336 = arith.index_cast %get3A_334 : i32 to index
        %get3A_337 = arith.index_cast %mul3A_231 : i32 to index
        %get3A_338 = tpu.vector_load %arg8[%get3A_335, %get3A_336, %get3A_337] {strides = array<i32>} : memref<4x32x768xf32, #tpu.memory_space<vmem>>, vector<1x1x16xf32>,
        %get3A_339 = vector.shape_cast %get3A_338 : vector<1x1x16xf32> to vector<16xf32>
        %add3A_340 = arith.addf %get3A_339, %get3A_236 : vector<16xf32>
        %swap3A_341 = arith.constant 23 : i32
        %swap3A_342 = arith.index_cast %rem3A_174 : i32 to index
        %swap3A_343 = arith.index_cast %swap3A_341 : i32 to index
        %swap3A_344 = arith.index_cast %mul3A_231 : i32 to index
        %swap3A_345 = tpu.vector_load %arg8[%swap3A_342, %swap3A_343, %swap3A_344] {strides = array<i32>} : memref<4x32x768xf32, #tpu.memory_space<vmem>>, vector<1x1x16xf32>,
        %swap3A_346 = vector.shape_cast %swap3A_345 : vector<1x1x16xf32> to vector<16xf32>
        %swap3A_347 = vector.shape_cast %add3A_340 : vector<16xf32> to vector<1x1x16xf32>
        tpu.vector_store %arg8[%swap3A_342, %swap3A_343, %swap3A_344], %swap3A_347 {strides = array<i32>} : memref<4x32x768xf32, #tpu.memory_space<vmem>>, vector<1x1x16xf32>,
        %get3A_348 = arith.constant 24 : i32
        %get3A_349 = arith.index_cast %rem3A_174 : i32 to index
        %get3A_350 = arith.index_cast %get3A_348 : i32 to index
        %get3A_351 = arith.index_cast %mul3A_231 : i32 to index
        %get3A_352 = tpu.vector_load %arg8[%get3A_349, %get3A_350, %get3A_351] {strides = array<i32>} : memref<4x32x768xf32, #tpu.memory_space<vmem>>, vector<1x1x16xf32>,
        %get3A_353 = vector.shape_cast %get3A_352 : vector<1x1x16xf32> to vector<16xf32>
        %add3A_354 = arith.addf %get3A_353, %get3A_236 : vector<16xf32>
        %swap3A_355 = arith.constant 24 : i32
        %swap3A_356 = arith.index_cast %rem3A_174 : i32 to index
        %swap3A_357 = arith.index_cast %swap3A_355 : i32 to index
        %swap3A_358 = arith.index_cast %mul3A_231 : i32 to index
        %swap3A_359 = tpu.vector_load %arg8[%swap3A_356, %swap3A_357, %swap3A_358] {strides = array<i32>} : memref<4x32x768xf32, #tpu.memory_space<vmem>>, vector<1x1x16xf32>,
        %swap3A_360 = vector.shape_cast %swap3A_359 : vector<1x1x16xf32> to vector<16xf32>
        %swap3A_361 = vector.shape_cast %add3A_354 : vector<16xf32> to vector<1x1x16xf32>
        tpu.vector_store %arg8[%swap3A_356, %swap3A_357, %swap3A_358], %swap3A_361 {strides = array<i32>} : memref<4x32x768xf32, #tpu.memory_space<vmem>>, vector<1x1x16xf32>,
        %get3A_362 = arith.constant 25 : i32
        %get3A_363 = arith.index_cast %rem3A_174 : i32 to index
        %get3A_364 = arith.index_cast %get3A_362 : i32 to index
        %get3A_365 = arith.index_cast %mul3A_231 : i32 to index
        %get3A_366 = tpu.vector_load %arg8[%get3A_363, %get3A_364, %get3A_365] {strides = array<i32>} : memref<4x32x768xf32, #tpu.memory_space<vmem>>, vector<1x1x16xf32>,
        %get3A_367 = vector.shape_cast %get3A_366 : vector<1x1x16xf32> to vector<16xf32>
        %add3A_368 = arith.addf %get3A_367, %get3A_236 : vector<16xf32>
        %swap3A_369 = arith.constant 25 : i32
        %swap3A_370 = arith.index_cast %rem3A_174 : i32 to index
        %swap3A_371 = arith.index_cast %swap3A_369 : i32 to index
        %swap3A_372 = arith.index_cast %mul3A_231 : i32 to index
        %swap3A_373 = tpu.vector_load %arg8[%swap3A_370, %swap3A_371, %swap3A_372] {strides = array<i32>} : memref<4x32x768xf32, #tpu.memory_space<vmem>>, vector<1x1x16xf32>,
        %swap3A_374 = vector.shape_cast %swap3A_373 : vector<1x1x16xf32> to vector<16xf32>
        %swap3A_375 = vector.shape_cast %add3A_368 : vector<16xf32> to vector<1x1x16xf32>
        tpu.vector_store %arg8[%swap3A_370, %swap3A_371, %swap3A_372], %swap3A_375 {strides = array<i32>} : memref<4x32x768xf32, #tpu.memory_space<vmem>>, vector<1x1x16xf32>,
        %get3A_376 = arith.constant 26 : i32
        %get3A_377 = arith.index_cast %rem3A_174 : i32 to index
        %get3A_378 = arith.index_cast %get3A_376 : i32 to index
        %get3A_379 = arith.index_cast %mul3A_231 : i32 to index
        %get3A_380 = tpu.vector_load %arg8[%get3A_377, %get3A_378, %get3A_379] {strides = array<i32>} : memref<4x32x768xf32, #tpu.memory_space<vmem>>, vector<1x1x16xf32>,
        %get3A_381 = vector.shape_cast %get3A_380 : vector<1x1x16xf32> to vector<16xf32>
        %add3A_382 = arith.addf %get3A_381, %get3A_236 : vector<16xf32>
        %swap3A_383 = arith.constant 26 : i32
        %swap3A_384 = arith.index_cast %rem3A_174 : i32 to index
        %swap3A_385 = arith.index_cast %swap3A_383 : i32 to index
        %swap3A_386 = arith.index_cast %mul3A_231 : i32 to index
        %swap3A_387 = tpu.vector_load %arg8[%swap3A_384, %swap3A_385, %swap3A_386] {strides = array<i32>} : memref<4x32x768xf32, #tpu.memory_space<vmem>>, vector<1x1x16xf32>,
        %swap3A_388 = vector.shape_cast %swap3A_387 : vector<1x1x16xf32> to vector<16xf32>
        %swap3A_389 = vector.shape_cast %add3A_382 : vector<16xf32> to vector<1x1x16xf32>
        tpu.vector_store %arg8[%swap3A_384, %swap3A_385, %swap3A_386], %swap3A_389 {strides = array<i32>} : memref<4x32x768xf32, #tpu.memory_space<vmem>>, vector<1x1x16xf32>,
        %get3A_390 = arith.constant 27 : i32
        %get3A_391 = arith.index_cast %rem3A_174 : i32 to index
        %get3A_392 = arith.index_cast %get3A_390 : i32 to index
        %get3A_393 = arith.index_cast %mul3A_231 : i32 to index
        %get3A_394 = tpu.vector_load %arg8[%get3A_391, %get3A_392, %get3A_393] {strides = array<i32>} : memref<4x32x768xf32, #tpu.memory_space<vmem>>, vector<1x1x16xf32>,
        %get3A_395 = vector.shape_cast %get3A_394 : vector<1x1x16xf32> to vector<16xf32>
        %add3A_396 = arith.addf %get3A_395, %get3A_236 : vector<16xf32>
        %swap3A_397 = arith.constant 27 : i32
        %swap3A_398 = arith.index_cast %rem3A_174 : i32 to index
        %swap3A_399 = arith.index_cast %swap3A_397 : i32 to index
        %swap3A_400 = arith.index_cast %mul3A_231 : i32 to index
        %swap3A_401 = tpu.vector_load %arg8[%swap3A_398, %swap3A_399, %swap3A_400] {strides = array<i32>} : memref<4x32x768xf32, #tpu.memory_space<vmem>>, vector<1x1x16xf32>,
        %swap3A_402 = vector.shape_cast %swap3A_401 : vector<1x1x16xf32> to vector<16xf32>
        %swap3A_403 = vector.shape_cast %add3A_396 : vector<16xf32> to vector<1x1x16xf32>
        tpu.vector_store %arg8[%swap3A_398, %swap3A_399, %swap3A_400], %swap3A_403 {strides = array<i32>} : memref<4x32x768xf32, #tpu.memory_space<vmem>>, vector<1x1x16xf32>,
        %get3A_404 = arith.constant 28 : i32
        %get3A_405 = arith.index_cast %rem3A_174 : i32 to index
        %get3A_406 = arith.index_cast %get3A_404 : i32 to index
        %get3A_407 = arith.index_cast %mul3A_231 : i32 to index
        %get3A_408 = tpu.vector_load %arg8[%get3A_405, %get3A_406, %get3A_407] {strides = array<i32>} : memref<4x32x768xf32, #tpu.memory_space<vmem>>, vector<1x1x16xf32>,
        %get3A_409 = vector.shape_cast %get3A_408 : vector<1x1x16xf32> to vector<16xf32>
        %add3A_410 = arith.addf %get3A_409, %get3A_236 : vector<16xf32>
        %swap3A_411 = arith.constant 28 : i32
        %swap3A_412 = arith.index_cast %rem3A_174 : i32 to index
        %swap3A_413 = arith.index_cast %swap3A_411 : i32 to index
        %swap3A_414 = arith.index_cast %mul3A_231 : i32 to index
        %swap3A_415 = tpu.vector_load %arg8[%swap3A_412, %swap3A_413, %swap3A_414] {strides = array<i32>} : memref<4x32x768xf32, #tpu.memory_space<vmem>>, vector<1x1x16xf32>,
        %swap3A_416 = vector.shape_cast %swap3A_415 : vector<1x1x16xf32> to vector<16xf32>
        %swap3A_417 = vector.shape_cast %add3A_410 : vector<16xf32> to vector<1x1x16xf32>
        tpu.vector_store %arg8[%swap3A_412, %swap3A_413, %swap3A_414], %swap3A_417 {strides = array<i32>} : memref<4x32x768xf32, #tpu.memory_space<vmem>>, vector<1x1x16xf32>,
        %get3A_418 = arith.constant 29 : i32
        %get3A_419 = arith.index_cast %rem3A_174 : i32 to index
        %get3A_420 = arith.index_cast %get3A_418 : i32 to index
        %get3A_421 = arith.index_cast %mul3A_231 : i32 to index
        %get3A_422 = tpu.vector_load %arg8[%get3A_419, %get3A_420, %get3A_421] {strides = array<i32>} : memref<4x32x768xf32, #tpu.memory_space<vmem>>, vector<1x1x16xf32>,
        %get3A_423 = vector.shape_cast %get3A_422 : vector<1x1x16xf32> to vector<16xf32>
        %add3A_424 = arith.addf %get3A_423, %get3A_236 : vector<16xf32>
        %swap3A_425 = arith.constant 29 : i32
        %swap3A_426 = arith.index_cast %rem3A_174 : i32 to index
        %swap3A_427 = arith.index_cast %swap3A_425 : i32 to index
        %swap3A_428 = arith.index_cast %mul3A_231 : i32 to index
        %swap3A_429 = tpu.vector_load %arg8[%swap3A_426, %swap3A_427, %swap3A_428] {strides = array<i32>} : memref<4x32x768xf32, #tpu.memory_space<vmem>>, vector<1x1x16xf32>,
        %swap3A_430 = vector.shape_cast %swap3A_429 : vector<1x1x16xf32> to vector<16xf32>
        %swap3A_431 = vector.shape_cast %add3A_424 : vector<16xf32> to vector<1x1x16xf32>
        tpu.vector_store %arg8[%swap3A_426, %swap3A_427, %swap3A_428], %swap3A_431 {strides = array<i32>} : memref<4x32x768xf32, #tpu.memory_space<vmem>>, vector<1x1x16xf32>,
        %get3A_432 = arith.constant 30 : i32
        %get3A_433 = arith.index_cast %rem3A_174 : i32 to index
        %get3A_434 = arith.index_cast %get3A_432 : i32 to index
        %get3A_435 = arith.index_cast %mul3A_231 : i32 to index
        %get3A_436 = tpu.vector_load %arg8[%get3A_433, %get3A_434, %get3A_435] {strides = array<i32>} : memref<4x32x768xf32, #tpu.memory_space<vmem>>, vector<1x1x16xf32>,
        %get3A_437 = vector.shape_cast %get3A_436 : vector<1x1x16xf32> to vector<16xf32>
        %add3A_438 = arith.addf %get3A_437, %get3A_236 : vector<16xf32>
        %swap3A_439 = arith.constant 30 : i32
        %swap3A_440 = arith.index_cast %rem3A_174 : i32 to index
        %swap3A_441 = arith.index_cast %swap3A_439 : i32 to index
        %swap3A_442 = arith.index_cast %mul3A_231 : i32 to index
        %swap3A_443 = tpu.vector_load %arg8[%swap3A_440, %swap3A_441, %swap3A_442] {strides = array<i32>} : memref<4x32x768xf32, #tpu.memory_space<vmem>>, vector<1x1x16xf32>,
        %swap3A_444 = vector.shape_cast %swap3A_443 : vector<1x1x16xf32> to vector<16xf32>
        %swap3A_445 = vector.shape_cast %add3A_438 : vector<16xf32> to vector<1x1x16xf32>
        tpu.vector_store %arg8[%swap3A_440, %swap3A_441, %swap3A_442], %swap3A_445 {strides = array<i32>} : memref<4x32x768xf32, #tpu.memory_space<vmem>>, vector<1x1x16xf32>,
        %get3A_446 = arith.constant 31 : i32
        %get3A_447 = arith.index_cast %rem3A_174 : i32 to index
        %get3A_448 = arith.index_cast %get3A_446 : i32 to index
        %get3A_449 = arith.index_cast %mul3A_231 : i32 to index
        %get3A_450 = tpu.vector_load %arg8[%get3A_447, %get3A_448, %get3A_449] {strides = array<i32>} : memref<4x32x768xf32, #tpu.memory_space<vmem>>, vector<1x1x16xf32>,
        %get3A_451 = vector.shape_cast %get3A_450 : vector<1x1x16xf32> to vector<16xf32>
        %add3A_452 = arith.addf %get3A_451, %get3A_236 : vector<16xf32>
        %swap3A_453 = arith.constant 31 : i32
        %swap3A_454 = arith.index_cast %rem3A_174 : i32 to index
        %swap3A_455 = arith.index_cast %swap3A_453 : i32 to index
        %swap3A_456 = arith.index_cast %mul3A_231 : i32 to index
        %swap3A_457 = tpu.vector_load %arg8[%swap3A_454, %swap3A_455, %swap3A_456] {strides = array<i32>} : memref<4x32x768xf32, #tpu.memory_space<vmem>>, vector<1x1x16xf32>,
        %swap3A_458 = vector.shape_cast %swap3A_457 : vector<1x1x16xf32> to vector<16xf32>
        %swap3A_459 = vector.shape_cast %add3A_452 : vector<16xf32> to vector<1x1x16xf32>
        tpu.vector_store %arg8[%swap3A_454, %swap3A_455, %swap3A_456], %swap3A_459 {strides = array<i32>} : memref<4x32x768xf32, #tpu.memory_space<vmem>>, vector<1x1x16xf32>,
        %scan3A_460 = arith.constant 0 : i32
        scf.yield %scan3A_460 : i32
      }
      %scan3A_207 = arith.constant 48 : i32
      %rem3A_208 = arith.constant 4 : i32
      %rem3A_209 = arith.remsi %scan3A_134, %rem3A_208 : i32
      %mul3A_210 = arith.constant 1024 : i32
      %mul3A_211 = arith.muli %scan3A_134, %mul3A_210 : i32
      %add3A_212 = arith.addi %mul3A_211, %mul3A_2 : i32
      %add3A_213 = arith.constant 16 : i32
      %add3A_214 = arith.addi %add3A_212, %add3A_213 : i32
      %dma_start3A_215 = arith.constant 16 : i32
      %dma_start3A_216 = arith.constant 0 : i32
      %dma_start3A_217 = tpu.memref_slice %arg8[%rem3A_209, %dma_start3A_215, %dma_start3A_216] : memref<4x32x768xf32, #tpu.memory_space<vmem>> -> memref<1x16x768xf32, #tpu.memory_space<vmem>>
      %dma_start3A_218 = tpu.memref_squeeze %dma_start3A_217 : memref<1x16x768xf32, #tpu.memory_space<vmem>> -> memref<16x768xf32, #tpu.memory_space<vmem>>
      %dma_start3A_219 = arith.constant 0 : i32
      %dma_start3A_220 = tpu.memref_slice %arg5[%add3A_214, %dma_start3A_219] : memref<78848x768xf32, #tpu.memory_space<hbm>> -> memref<16x768xf32, #tpu.memory_space<hbm>>
      %dma_start3A_221 = arith.constant 0 : i32
      %dma_start3A_222 = tpu.memref_slice %arg5[%add3A_214, %dma_start3A_221] : memref<78848x768xf32, #tpu.memory_space<hbm>> -> memref<16x768xf32, #tpu.memory_space<hbm>>
      %dma_start3A_223 = arith.constant 16 : i32
      %dma_start3A_224 = arith.constant 0 : i32
      %dma_start3A_225 = tpu.memref_slice %arg8[%rem3A_209, %dma_start3A_223, %dma_start3A_224] : memref<4x32x768xf32, #tpu.memory_space<vmem>> -> memref<1x16x768xf32, #tpu.memory_space<vmem>>
      %dma_start3A_226 = tpu.memref_squeeze %dma_start3A_225 : memref<1x16x768xf32, #tpu.memory_space<vmem>> -> memref<16x768xf32, #tpu.memory_space<vmem>>
      tpu.enqueue_dma source(%dma_start3A_226 : memref<16x768xf32, #tpu.memory_space<vmem>>) target(%dma_start3A_222 : memref<16x768xf32, #tpu.memory_space<hbm>>) target_semaphore(%arg11 : memref<!tpu.dma_semaphore, #tpu.memory_space<semaphore_mem>>)
      %scan3A_227 = arith.constant 0 : i32
      scf.yield %scan3A_227 : i32
    }
    %scan3A_99 = arith.constant 77 : i32
    %rem3A_100 = arith.constant 76 : i32
    %rem3A_101 = arith.constant 4 : i32
    %rem3A_102 = arith.remsi %rem3A_100, %rem3A_101 : i32
    %add3A_103 = arith.constant 77824 : i32
    %add3A_104 = arith.addi %add3A_103, %mul3A_2 : i32
    %add3A_105 = arith.constant 0 : i32
    %add3A_106 = arith.addi %add3A_104, %add3A_105 : i32
    %dma_wait3A = arith.constant 0 : i32
    %dma_wait3A_107 = arith.constant 0 : i32
    %dma_wait3A_108 = tpu.memref_slice %arg8[%rem3A_102, %dma_wait3A, %dma_wait3A_107] : memref<4x32x768xf32, #tpu.memory_space<vmem>> -> memref<1x16x768xf32, #tpu.memory_space<vmem>>
    %dma_wait3A_109 = tpu.memref_squeeze %dma_wait3A_108 : memref<1x16x768xf32, #tpu.memory_space<vmem>> -> memref<16x768xf32, #tpu.memory_space<vmem>>
    %dma_wait3A_110 = arith.constant 0 : i32
    %dma_wait3A_111 = tpu.memref_slice %arg5[%add3A_106, %dma_wait3A_110] : memref<78848x768xf32, #tpu.memory_space<hbm>> -> memref<16x768xf32, #tpu.memory_space<hbm>>
    %dma_wait3A_112 = arith.constant 0 : i32
    %dma_wait3A_113 = tpu.memref_slice %arg5[%add3A_106, %dma_wait3A_112] : memref<78848x768xf32, #tpu.memory_space<hbm>> -> memref<16x768xf32, #tpu.memory_space<hbm>>
    %dma_wait3A_114 = arith.constant 0 : i32
    %dma_wait3A_115 = arith.constant 0 : i32
    %dma_wait3A_116 = tpu.memref_slice %arg8[%rem3A_102, %dma_wait3A_114, %dma_wait3A_115] : memref<4x32x768xf32, #tpu.memory_space<vmem>> -> memref<1x16x768xf32, #tpu.memory_space<vmem>>
    %dma_wait3A_117 = tpu.memref_squeeze %dma_wait3A_116 : memref<1x16x768xf32, #tpu.memory_space<vmem>> -> memref<16x768xf32, #tpu.memory_space<vmem>>
    tpu.wait_dma2 semaphore(%arg11 : memref<!tpu.dma_semaphore, #tpu.memory_space<semaphore_mem>>) src(%dma_wait3A_117 : memref<16x768xf32, #tpu.memory_space<vmem>>) dst(%dma_wait3A_113 : memref<16x768xf32, #tpu.memory_space<hbm>>)
    %add3A_118 = arith.constant 77824 : i32
    %add3A_119 = arith.addi %add3A_118, %mul3A_2 : i32
    %add3A_120 = arith.constant 16 : i32
    %add3A_121 = arith.addi %add3A_119, %add3A_120 : i32
    %dma_wait3A_122 = arith.constant 16 : i32
    %dma_wait3A_123 = arith.constant 0 : i32
    %dma_wait3A_124 = tpu.memref_slice %arg8[%rem3A_102, %dma_wait3A_122, %dma_wait3A_123] : memref<4x32x768xf32, #tpu.memory_space<vmem>> -> memref<1x16x768xf32, #tpu.memory_space<vmem>>
    %dma_wait3A_125 = tpu.memref_squeeze %dma_wait3A_124 : memref<1x16x768xf32, #tpu.memory_space<vmem>> -> memref<16x768xf32, #tpu.memory_space<vmem>>
    %dma_wait3A_126 = arith.constant 0 : i32
    %dma_wait3A_127 = tpu.memref_slice %arg5[%add3A_121, %dma_wait3A_126] : memref<78848x768xf32, #tpu.memory_space<hbm>> -> memref<16x768xf32, #tpu.memory_space<hbm>>
    %dma_wait3A_128 = arith.constant 0 : i32
    %dma_wait3A_129 = tpu.memref_slice %arg5[%add3A_121, %dma_wait3A_128] : memref<78848x768xf32, #tpu.memory_space<hbm>> -> memref<16x768xf32, #tpu.memory_space<hbm>>
    %dma_wait3A_130 = arith.constant 16 : i32
    %dma_wait3A_131 = arith.constant 0 : i32
    %dma_wait3A_132 = tpu.memref_slice %arg8[%rem3A_102, %dma_wait3A_130, %dma_wait3A_131] : memref<4x32x768xf32, #tpu.memory_space<vmem>> -> memref<1x16x768xf32, #tpu.memory_space<vmem>>
    %dma_wait3A_133 = tpu.memref_squeeze %dma_wait3A_132 : memref<1x16x768xf32, #tpu.memory_space<vmem>> -> memref<16x768xf32, #tpu.memory_space<vmem>>
    tpu.wait_dma2 semaphore(%arg11 : memref<!tpu.dma_semaphore, #tpu.memory_space<semaphore_mem>>) src(%dma_wait3A_133 : memref<16x768xf32, #tpu.memory_space<vmem>>) dst(%dma_wait3A_129 : memref<16x768xf32, #tpu.memory_space<hbm>>)
    return
  }
}

</mosaic_0001>

<sc_bundles>
// kernel: kernel.3.cloned.1.call-start
scs
__scs_entry_jumppad:
0x0: {  	(pc) =	sbr.rel $0x88, $3  }
0x1: {  	(tag) =	ssettag $0x0;
	lr =	simm.s32 $0x1  }
0x2: {  	[smem:$0x3F9E] =	sst lr;
	_ =	strace $0xD0000000  }
0x3: {  	_ = 	snop  }
0x4: {  	_ = 	snop  }
0x5: {  	_ = 	snop  }
0x6: {  	_ = 	snop  }
0x7: {  	_ = 	snop  }
__scs_overlays_trampoline_lowered:
0x8: {  	[smem:$0x3FAD] =	sst s0  }
0x9: {  	[smem:$0x3FAE] =	sst s1  }
0xa: {  	[smem:$0x3FAF] =	sst s2  }
0xb: {  	[smem:$0x3FB0] =	sst s3  }
0xc: {  	[smem:$0x3FB1] =	sst s4  }
0xd: {  	[smem:$0x3FB2] =	sst s5  }
0xe: {  	[smem:$0x3FB3] =	sst s6  }
0xf: {  	[smem:$0x3FB4] =	sst s7  }
0x10: {  	[smem:$0x3FB5] =	sst s8  }
0x11: {  	[smem:$0x3FB6] =	sst s9;
	s0 =	simm.s32 @!p0 $0x0  }
0x12: {  	s1 =	sld [smem:$0x3F9C];
	s0 =	simm.s32 @p0 $0x1  }
0x13: {  	[smem:$0x3FB7] =	sst s0;
	s0 =	simm.s32 @!p1 $0x0  }
0x14: {  	s2 =	sld [smem:$0x3F9B];
	s0 =	simm.s32 @p1 $0x1  }
0x15: {  	[smem:$0x3FB8] =	sst s0;
	s0 =	simm.s32 @!p2 $0x0  }
0x16: {  	s3 =	sld [smem:$0x3FDB];
	s0 =	simm.s32 @p2 $0x1  }
0x17: {  	s4 =	simm.s32 $0x1BF5;
	[smem:$0x3FBA] =	sst s0  }
0x18: {  	s0 =	sld [smem:$0x3F9D];
	_ =	swait.ge [sflag:s4], $0x0  }
0x19: {  	s7 =	sld [smem:$0x3F9E]  }
0x1a: {  	s8 =	sadd.s32 $0xFFFFE003, lr  }
0x1b: {  	s9 =	sadd.s32 $0xFFFFFEF7, lr;
	s5 =	simm.s32 $0xFFFFFFFF;
	p2 =	slt.u32 s8, $0xFFFFF086  }
0x1c: {  	p1 =	slt.u32 s9, $0xF7A;
	s5 =	simm.s32 @!p2 $0x0  }
0x1d: {  	s5 =	simm.s32 @p1 $0x1;
	p0 =	seq.s32 s7, s2  }
0x1e: {  	s7 =	smul.u32 @!p0 $0xF7A, s2;
	p2 =	seq.s32 @!p0 s5, $0x0  }
0x1f: {  	s9 =	smul.u32 $0xF7A, s1;
	s8 =	simm.s32 @!p0 $0x1BF5;
	p2 =	por !p2, p0  }
0x20: {  	[sflag:s8] =	ssyncset.s32 @!p0 $0xFFFFF086;
	s6 =	sadd.s32 @!p0 s3, s7;
	s7 =	simm.s32 @!p0 $0x108  }
0x21: {  	s3 =	sadd.s32 s3, s9;
	s6 =	sadd.s32 @!p0 $0x88, s6;
	s7 =	simm.s32 @p2 $0x1082  }
0x22: {  	[simem:s7], [sflag:s8] =	dma.local @!p0 [hbm:s6], $0xF7A  }
0x23: {  	s9 =	sor.u32 $0xD0000000, s2;
	s6 =	simm.s32 $0x108;
	_ =	swait.ge @!p0 [sflag:s8], $0x0  }
0x24: {  	s3 =	sadd.s32 $0x88, s3;
	s6 =	simm.s32 @!p1 $0x1082;
	[sflag:s4] =	ssyncset.s32 $0xFFFFF086  }
0x25: {  	[simem:s6], [sflag:s4] =	dma.local [hbm:s3], $0xF7A  }
0x26: {  	[smem:$0x3F9E] =	sst s1;
	(tag) =	ssettag s2;
	_ =	strace s9  }
0x27: {  	s1 =	sld [smem:$0x3FAE]  }
0x28: {  	s2 =	sld [smem:$0x3FAF]  }
0x29: {  	s4 =	sld [smem:$0x3FB1]  }
0x2a: {  	p0 =	seq.s32 s5, $0x0;
	s5 =	sld [smem:$0x3FB2]  }
0x2b: {  	s6 =	sld [smem:$0x3FB3]  }
0x2c: {  	s7 =	sld [smem:$0x3FB4]  }
0x2d: {  	s3 =	simm.s32 $0x108;
	s8 =	sld [smem:$0x3FB5]  }
0x2e: {  	s3 =	simm.s32 @!p0 $0x1082;
	s9 =	sld [smem:$0x3FB6]  }
0x2f: {  	lr =	sadd.s32 s0, s3;
	s0 =	sld [smem:$0x3FAD]  }
0x30: {  	s3 =	sld [smem:$0x3FB0]  }
0x31: {  	[smem:$0x3FB9] =	sst s10  }
0x32: {  	s10 =	sld [smem:$0x3FB7];
	_ =	sdelay $0x3  }
0x33: {  	p0 =	seq.s32 s10, $0x1;
	s10 =	sld [smem:$0x3FB9];
	_ =	sdelay $0x3  }
0x34: {  	[smem:$0x3FB9] =	sst s10  }
0x35: {  	s10 =	sld [smem:$0x3FB8];
	_ =	sdelay $0x3  }
0x36: {  	p1 =	seq.s32 s10, $0x1;
	s10 =	sld [smem:$0x3FB9];
	_ =	sdelay $0x3  }
0x37: {  	[smem:$0x3FB9] =	sst s10  }
0x38: {  	s10 =	sld [smem:$0x3FBA]  }
0x39: {  	_ = 	snop;
	(pc) =	sbr.ind lr, $3  }
0x3a: {  	_ = 	snop  }
0x3b: {  	_ = 	snop  }
0x3c: {  	p2 =	seq.s32 s10, $0x1;
	s10 =	sld [smem:$0x3FB9]  }
0x3d: {  	_ =	shalt  }
0x3e: {  	_ =	shalt  }
0x3f: {  	_ =	shalt  }
0x40: {  	_ =	shalt  }
0x41: {  	_ =	shalt  }
0x42: {  	_ =	shalt  }
0x43: {  	_ =	shalt  }
0x44: {  	_ =	shalt  }
0x45: {  	_ =	shalt  }
0x46: {  	_ =	shalt  }
0x47: {  	_ =	shalt  }
0x48: {  	_ =	shalt  }
0x49: {  	_ =	shalt  }
0x4a: {  	_ =	shalt  }
0x4b: {  	_ =	shalt  }
0x4c: {  	_ =	shalt  }
0x4d: {  	_ =	shalt  }
0x4e: {  	_ =	shalt  }
0x4f: {  	_ =	shalt  }
0x50: {  	_ =	shalt  }
0x51: {  	_ =	shalt  }
0x52: {  	_ =	shalt  }
0x53: {  	_ =	shalt  }
0x54: {  	_ =	shalt  }
0x55: {  	_ =	shalt  }
0x56: {  	_ =	shalt  }
0x57: {  	_ =	shalt  }
0x58: {  	_ =	shalt  }
0x59: {  	_ =	shalt  }
0x5a: {  	_ =	shalt  }
0x5b: {  	_ =	shalt  }
0x5c: {  	_ =	shalt  }
0x5d: {  	_ =	shalt  }
0x5e: {  	_ =	shalt  }
0x5f: {  	_ =	shalt  }
0x60: {  	_ =	shalt  }
0x61: {  	_ =	shalt  }
0x62: {  	_ =	shalt  }
0x63: {  	_ =	shalt  }
0x64: {  	_ =	shalt  }
0x65: {  	_ =	shalt  }
0x66: {  	_ =	shalt  }
0x67: {  	_ =	shalt  }
0x68: {  	_ =	shalt  }
0x69: {  	_ =	shalt  }
0x6a: {  	_ =	shalt  }
0x6b: {  	_ =	shalt  }
0x6c: {  	_ =	shalt  }
0x6d: {  	_ =	shalt  }
0x6e: {  	_ =	shalt  }
0x6f: {  	_ =	shalt  }
0x70: {  	_ =	shalt  }
0x71: {  	_ =	shalt  }
0x72: {  	_ =	shalt  }
0x73: {  	_ =	shalt  }
0x74: {  	_ =	shalt  }
0x75: {  	_ =	shalt  }
0x76: {  	_ =	shalt  }
0x77: {  	_ =	shalt  }
0x78: {  	_ =	shalt  }
0x79: {  	_ =	shalt  }
0x7a: {  	_ =	shalt  }
0x7b: {  	_ =	shalt  }
0x7c: {  	_ =	shalt  }
0x7d: {  	_ =	shalt  }
0x7e: {  	_ =	shalt  }
0x7f: {  	_ =	shalt  }
0x80: {  	_ =	shalt  }
0x81: {  	_ =	shalt  }
0x82: {  	_ =	shalt  }
0x83: {  	_ =	shalt  }
0x84: {  	_ =	shalt  }
0x85: {  	_ =	shalt  }
0x86: {  	_ =	shalt  }
0x87: {  	_ =	shalt  }
.Lfunc_end0:
.L_simem_size_0:
called_computation_lowered:
.L_overlay_start_0:
0x88: {  	s2 =	sld [smem:$0x3FD9]  }
0x89: {  	s3 =	sld [smem:$0x3FFE];
	_ =	sdelay $0x1  }
0x8a: {  	s1 =	srdreg.scid  }
0x8b: {  	s0 =	sand.u32 $0x1, s1  }
0x8c: {  	s17 =	sshll.u32 s0, $0xA;
	s2 =	sadd.s32 s3, s2  }
0x8d: {  	s2 =	sadd.s32 s2, s17  }
0x8e: {  	[smem:$0x3FC5] =	sst s2  }
0x8f: {  	_ = 	snop  }
0x90: {  	s2 =	sld [smem:$0x3FC8]  }
0x91: {  	s18 =	sld [smem:$0x3FD0];
	(tm) =	ssettm $0x1  }
0x92: {  	s4 =	sld [smem:$0x3FFB];
	_ =	sdelay $0x3  }
0x93: {  	_ =	strace s4  }
0x94: {  	s4 =	sld [smem:$0x3FFC];
	_ =	sdelay $0x3  }
0x95: {  	_ =	strace s4  }
0x96: {  	s4 =	sld [smem:$0x3FFD];
	_ =	sdelay $0x3  }
0x97: {  	_ =	strace s4  }
0x98: {  	_ =	strace $0x8FFFFFFF  }
0x99: {  	s19 =	sld [smem:$0x3FDB];
	_ =	sdelay $0x1  }
0x9a: {  	s5 =	simm.s32 $_scs_section_size  }
0x9b: {  	s6 =	simm.s32 $_size__tile_overlayer_lowered;
	s7 =	simm.s32 $_tile_overlayer_lowered  }
0x9c: {  	s22 =	simm.s32 $0x1BFF;
	s21 =	sshll.u32 s7, $0x1;
	s4 =	sadd.s32 s5, s19  }
0x9d: {  	s8 =	simm.s32 $0x0;
	s20 =	sshll.u32 s6, $0x1;
	s6 =	sadd.s32 s21, s4  }
0x9e: {  	[timem:s8], [sflag:s22] =	dma.local [hbm:s6], s20  }
0x9f: {  	_ =	swait.ge [sflag:s22], s20  }
0xa0: {  	s5 =	ssub.s32 $0x0, s20;
	[sflag:s22] =	ssyncset.done $0x0  }
0xa1: {  	[sflag:s22] =	ssyncadd.s32 s5;
	_ =	sdelay $0x1  }
0xa2: {  	s23 =	simm.s32 $0x1B8B  }
0xa3: {  	_ =	swait.ge [sflag:s23], $0x1  }
0xa4: {  	[sflag:s23] =	ssyncset.done $0x0  }
0xa5: {  	s25 =	simm.s32 $0x1B8E;
	s24 =	sld [smem:$0x3FFE];
	[sflag:s23] =	ssyncadd.s32 $0xFFFFFFFF  }
0xa6: {  	s26 =	simm.s32 $execute0_lowered;
	[smem:$0x3FD2] =	sst s25  }
0xa7: {  	s6 =	sshll.u32 s26, $0x1;
	_ =	strace $0x80000046;
	[dreg:$0x1] =	wrdreg $0xFFFFFFFF  }
0xa8: {  	s28 =	simm.s32 $_size_execute0_lowered;
	s4 =	sadd.s32 s4, s6;
	[dreg:$0x0] =	wrdreg $0x0  }
0xa9: {  	s6 =	sshll.u32 s28, $0x1;
	[dreg:$0x2] =	wrdreg s4  }
0xaa: {  	[dreg:$0x3] =	wrdreg s6  }
0xab: {  	[dreg:$0x4] =	wrdreg $0xC0  }
0xac: {  	_ =	task [dreg:s8], $0x5FFFF  }
0xad: {  	[dreg:$0x1] =	wrdreg $0xFFFFFFFF  }
0xae: {  	[dreg:$0x0] =	wrdreg $0x60  }
0xaf: {  	[dreg:$0x2] =	wrdreg s2  }
0xb0: {  	[dreg:$0x3] =	wrdreg s24  }
0xb1: {  	[dreg:$0x4] =	wrdreg s18  }
0xb2: {  	[dreg:$0x5] =	wrdreg $0x9  }
0xb3: {  	_ =	task.clear_ibuf [dreg:s8], $0x6FFFF;
	_ =	strace $0x90000046  }
0xb4: {  	s29 =	simm.s32 $0x9;
	_ =	strace $0x80000048  }
0xb5: {  	_ =	swait.ge [sflag:s29], $0x1  }
0xb6: {  	[sflag:s29] =	ssyncadd.s32 $0xFFFFFFFF  }
0xb7: {  	_ =	strace $0x90000048  }
0xb8: {  	_ =	sfence  }
0xb9: {  	s30 =	sld [smem:$0x0];
	_ =	sdelay $0x2  }
0xba: {  	s31 =	sshll.u32 s1, $0xD;
	s1 =	sshrl.u32 s1, $0x2  }
0xbb: {  	s3 =	sand.u32 $0x4000, s31;
	s1 =	sadd.s32 s1, s30  }
0xbc: {  	s0 =	sor.u32 s3, s0;
	s1 =	sshll.u32 s1, $0x11  }
0xbd: {  	s0 =	sor.u32 s1, s0  }
0xbe: {  	s0 =	sadd.s32 $0x8F2B, s0  }
0xbf: {  	[sflag:s0] =	ssyncadd.remote.s32 $0x1  }
0xc0: {  	_ =	sfence.sel $0xFFFF  }
0xc1: {  	[dreg:$0x0] =	wrdreg $0xFFFFFFFF;
	(pc) =	sbr.abs _section_cstart, $3  }
0xc2: {  	[dreg:$0x1] =	wrdreg $0xFFFFFFFF  }
0xc3: {  	_ =	task.clear_ibuf [dreg:s8], $0x2FFFF;
	_ =	strace $0x9FFFFFFF  }
0xc4: {  	(tm) =	ssettm $0x7FFFFFFF  }
0xc5: {  	_ =	shalt  }
tec
execute0_lowered:
.L_overlay_start_1:
0x0: {  	(tag) =	ssettag $0x1  }
0x1: {  	s1 =	rddreg [dreg:$0x0]  }
0x2: {  	s0 =	rddreg [dreg:$0x1]  }
0x3: {  	s2 =	srdreg.scid;
	s4 =	stileid.u32  }
0x4: {  	s3 =	rddreg [dreg:$0x2];
	s13 =	simm.s32 $0x4;
	s14 =	simm.s32 $0x2E00  }
0x5: {  	s15 =	simm.s32 $0x1;
	s16 =	simm.s32 $0x2;
	s17 =	simm.s32 $0x3  }
0x6: {  	s18 =	simm.s32 $0x0;
	s2 =	sand.u32 $0x1, s2;
	s5 =	sshll.u32 s4, $0x1  }
0x7: {  	s4 =	simm.s32 $0x0;
	s9 =	sadd.s32 $0x200, s1;
	s10 =	sadd.s32 $0x460, s0  }
0x8: {  	s11 =	sadd.s32 $0x4C0, s0;
	s6 =	sor.u32 s2, s5;
	s2 =	ssub.s32 $0x2, s2  }
0x9: {  	[smem:$0x7FF] =	sst s4;
	s5 =	smul.u32 $0x500, s6;
	s7 =	sshrl.u32 s2, $0x1  }
0xa: {  	v2 =	vlaneseq.u32;
	_ =	strace $0x80000047;
	s6 =	sshll.u32 s6, $0x2;
	s2 =	ssub.s32 s2, s7  }
0xb: {  	vm0 =	vmmov $0xffff;
	v1 =	vshrl.u32 v2, $0x3;
	s8 =	sadd.s32 s5, s0;
	s5 =	sadd.s32 $0x400, s0;
	s12 =	smax.u32 s2, $0x1  }
0xc: {  	v0 =	vand.u32 $0x7, v2;
	v2 =	vor.u32 $0x8, v2;
	v1 =	vmul.u32 $0x8, v1;
	s0 =	simm.s32 $0x14C00;
	s7 =	sadd.s32 $0x2200, s8;
	s8 =	sadd.s32 $0x100, s1  }
.LBB2_1:
0xd: {  	[tilespmem:s4], [sflag:$0x4] =	stream.linear.gather [hbm4b:s7+s4], $0x2680, $0x38;
	[tilespmem:$0x1B400] =	vst v63  }
0xe: {  	_ =	swait.ge [sflag:s13], $0x2680  }
0xf: {  	[sflag:s13] =	ssyncset.done $0x0  }
0x10: {  	[sflag:s13] =	ssyncadd.s32 $0xFFFFD980  }
0x11: {  	v3 =	vld [tilespmem:$0x0];
	_ =	sdelay $0x4  }
0x12: {  	v4 =	vshrl.u32 v3, $0x3  }
0x13: {  	v4 =	vmul.u32 $0x30, v4  }
0x14: {  	v3 =	vand.u32 $0x7, v3  }
0x15: {  	v3 =	vor.u32 v3, v4  }
0x16: {  	v4 =	vperm.xlane v3, v0;
	_ =	sdelay $0x1  }
0x17: {  	v4 =	vadd.s32 v1, v4;
	_ =	sdelay $0x3  }
0x18: {  	s2 =	simm.s32 $0x3400;
	v3 =	vperm.xlane v3, v2  }
0x19: {  	[tilespmem:s2], [sflag:$0x1] =	stream.indirect_vreg.gather [hbm4b:s1+s4], $0x80, v4, vm0, $0xb8;
	[tilespmem:$0x1B400] =	vst v63  }
0x1a: {  	s19 =	simm.s32 $0x3C00;
	v3 =	vadd.s32 v1, v3  }
0x1b: {  	[tilespmem:s19], [sflag:$0x1] =	stream.indirect_vreg.gather [hbm4b:s8+s4], $0x80, v4, vm0, $0xb8;
	[tilespmem:$0x1B400] =	vst v63  }
0x1c: {  	s20 =	simm.s32 $0x4400  }
0x1d: {  	[tilespmem:s20], [sflag:$0x1] =	stream.indirect_vreg.gather [hbm4b:s9+s4], $0x80, v4, vm0, $0xb8;
	[tilespmem:$0x1B400] =	vst v63  }
0x1e: {  	s21 =	simm.s32 $0x4C00  }
0x1f: {  	[tilespmem:s21], [sflag:$0x1] =	stream.indirect_vreg.gather [hbm4b:s1+s4], $0x80, v3, vm0, $0xb8;
	[tilespmem:$0x1B400] =	vst v63  }
0x20: {  	s22 =	simm.s32 $0x5400  }
0x21: {  	[tilespmem:s22], [sflag:$0x1] =	stream.indirect_vreg.gather [hbm4b:s8+s4], $0x80, v3, vm0, $0xb8;
	[tilespmem:$0x1B400] =	vst v63  }
0x22: {  	s23 =	simm.s32 $0x5C00  }
0x23: {  	[tilespmem:s23], [sflag:$0x1] =	stream.indirect_vreg.gather [hbm4b:s9+s4], $0x80, v3, vm0, $0xb8;
	[tilespmem:$0x1B400] =	vst v63  }
0x24: {  	v3 =	vld [tilespmem:$0x10];
	_ =	sdelay $0x4  }
0x25: {  	v59 =	vshrl.u32 v3, $0x3  }
0x26: {  	v4 =	vmul.u32 $0x30, v59  }
0x27: {  	v3 =	vand.u32 $0x7, v3  }
0x28: {  	v3 =	vor.u32 v3, v4  }
0x29: {  	v4 =	vperm.xlane v3, v0;
	_ =	sdelay $0x1  }
0x2a: {  	v4 =	vadd.s32 v1, v4;
	_ =	sdelay $0x3  }
0x2b: {  	s24 =	simm.s32 $0x6400;
	v3 =	vperm.xlane v3, v2  }
0x2c: {  	[tilespmem:s24], [sflag:$0x1] =	stream.indirect_vreg.gather [hbm4b:s1+s4], $0x80, v4, vm0, $0xb8;
	[tilespmem:$0x1B400] =	vst v63  }
0x2d: {  	s25 =	simm.s32 $0x6C00;
	v3 =	vadd.s32 v1, v3  }
0x2e: {  	[tilespmem:s25], [sflag:$0x1] =	stream.indirect_vreg.gather [hbm4b:s8+s4], $0x80, v4, vm0, $0xb8;
	[tilespmem:$0x1B400] =	vst v63  }
0x2f: {  	s26 =	simm.s32 $0x7400  }
0x30: {  	[tilespmem:s26], [sflag:$0x1] =	stream.indirect_vreg.gather [hbm4b:s9+s4], $0x80, v4, vm0, $0xb8;
	[tilespmem:$0x1B400] =	vst v63  }
0x31: {  	s28 =	simm.s32 $0x7C00  }
0x32: {  	[tilespmem:s28], [sflag:$0x1] =	stream.indirect_vreg.gather [hbm4b:s1+s4], $0x80, v3, vm0, $0xb8;
	[tilespmem:$0x1B400] =	vst v63  }
0x33: {  	s29 =	simm.s32 $0x8400  }
0x34: {  	[tilespmem:s29], [sflag:$0x1] =	stream.indirect_vreg.gather [hbm4b:s8+s4], $0x80, v3, vm0, $0xb8;
	[tilespmem:$0x1B400] =	vst v63  }
0x35: {  	s30 =	simm.s32 $0x8C00  }
0x36: {  	[tilespmem:s30], [sflag:$0x1] =	stream.indirect_vreg.gather [hbm4b:s9+s4], $0x80, v3, vm0, $0xb8;
	[tilespmem:$0x1B400] =	vst v63  }
0x37: {  	s31 =	simm.s32 $0x2800  }
0x38: {  	[tilespmem:s31], [sflag:$0x2] =	stream.linear.gather [hbm4b:s5+s4], $0x300, $0x38;
	[tilespmem:$0x1B400] =	vst v63  }
0x39: {  	v3 =	vld [tilespmem:$0x80];
	_ =	sdelay $0x4  }
0x3a: {  	v60 =	vshrl.u32 v3, $0x3  }
0x3b: {  	v4 =	vmul.u32 $0x30, v60  }
0x3c: {  	v3 =	vand.u32 $0x7, v3  }
0x3d: {  	v3 =	vor.u32 v3, v4  }
0x3e: {  	v4 =	vperm.xlane v3, v0;
	_ =	sdelay $0x1  }
0x3f: {  	v4 =	vadd.s32 v1, v4;
	_ =	sdelay $0x3  }
0x40: {  	s19 =	simm.s32 $0x9400;
	v3 =	vperm.xlane v3, v2  }
0x41: {  	[tilespmem:s19], [sflag:$0x1] =	stream.indirect_vreg.gather [hbm4b:s1+s4], $0x80, v4, vm0, $0xb8;
	[tilespmem:$0x1B400] =	vst v63  }
0x42: {  	s20 =	simm.s32 $0x9C00;
	v3 =	vadd.s32 v1, v3  }
0x43: {  	[tilespmem:s20], [sflag:$0x1] =	stream.indirect_vreg.gather [hbm4b:s8+s4], $0x80, v4, vm0, $0xb8;
	[tilespmem:$0x1B400] =	vst v63  }
0x44: {  	s21 =	simm.s32 $0xA400  }
0x45: {  	[tilespmem:s21], [sflag:$0x1] =	stream.indirect_vreg.gather [hbm4b:s9+s4], $0x80, v4, vm0, $0xb8;
	[tilespmem:$0x1B400] =	vst v63  }
0x46: {  	s22 =	simm.s32 $0xAC00  }
0x47: {  	[tilespmem:s22], [sflag:$0x1] =	stream.indirect_vreg.gather [hbm4b:s1+s4], $0x80, v3, vm0, $0xb8;
	[tilespmem:$0x1B400] =	vst v63  }
0x48: {  	s23 =	simm.s32 $0xB400  }
0x49: {  	[tilespmem:s23], [sflag:$0x1] =	stream.indirect_vreg.gather [hbm4b:s8+s4], $0x80, v3, vm0, $0xb8;
	[tilespmem:$0x1B400] =	vst v63  }
0x4a: {  	s24 =	simm.s32 $0xBC00  }
0x4b: {  	[tilespmem:s24], [sflag:$0x1] =	stream.indirect_vreg.gather [hbm4b:s9+s4], $0x80, v3, vm0, $0xb8;
	[tilespmem:$0x1B400] =	vst v63  }
0x4c: {  	v3 =	vld [tilespmem:$0x90];
	_ =	sdelay $0x4  }
0x4d: {  	v61 =	vshrl.u32 v3, $0x3  }
0x4e: {  	v4 =	vmul.u32 $0x30, v61  }
0x4f: {  	v3 =	vand.u32 $0x7, v3  }
0x50: {  	v3 =	vor.u32 v3, v4  }
0x51: {  	v4 =	vperm.xlane v3, v0;
	_ =	sdelay $0x1  }
0x52: {  	v4 =	vadd.s32 v1, v4;
	_ =	sdelay $0x3  }
0x53: {  	s25 =	simm.s32 $0xC400;
	v3 =	vperm.xlane v3, v2  }
0x54: {  	[tilespmem:s25], [sflag:$0x1] =	stream.indirect_vreg.gather [hbm4b:s1+s4], $0x80, v4, vm0, $0xb8;
	[tilespmem:$0x1B400] =	vst v63  }
0x55: {  	s26 =	simm.s32 $0xCC00;
	v3 =	vadd.s32 v1, v3  }
0x56: {  	[tilespmem:s26], [sflag:$0x1] =	stream.indirect_vreg.gather [hbm4b:s8+s4], $0x80, v4, vm0, $0xb8;
	[tilespmem:$0x1B400] =	vst v63  }
0x57: {  	s28 =	simm.s32 $0xD400  }
0x58: {  	[tilespmem:s28], [sflag:$0x1] =	stream.indirect_vreg.gather [hbm4b:s9+s4], $0x80, v4, vm0, $0xb8;
	[tilespmem:$0x1B400] =	vst v63  }
0x59: {  	s29 =	simm.s32 $0xDC00  }
0x5a: {  	[tilespmem:s29], [sflag:$0x1] =	stream.indirect_vreg.gather [hbm4b:s1+s4], $0x80, v3, vm0, $0xb8;
	[tilespmem:$0x1B400] =	vst v63  }
0x5b: {  	s30 =	simm.s32 $0xE400  }
0x5c: {  	[tilespmem:s30], [sflag:$0x1] =	stream.indirect_vreg.gather [hbm4b:s8+s4], $0x80, v3, vm0, $0xb8;
	[tilespmem:$0x1B400] =	vst v63  }
0x5d: {  	s31 =	simm.s32 $0xEC00  }
0x5e: {  	[tilespmem:s31], [sflag:$0x1] =	stream.indirect_vreg.gather [hbm4b:s9+s4], $0x80, v3, vm0, $0xb8;
	[tilespmem:$0x1B400] =	vst v63  }
0x5f: {  	s19 =	simm.s32 $0x2B00  }
0x60: {  	[tilespmem:s19], [sflag:$0x2] =	stream.linear.gather [hbm4b:s10+s4], $0x300, $0x38;
	[tilespmem:$0x1B400] =	vst v63  }
0x61: {  	v3 =	vld [tilespmem:$0x100];
	_ =	sdelay $0x4  }
0x62: {  	v62 =	vshrl.u32 v3, $0x3  }
0x63: {  	v4 =	vmul.u32 $0x30, v62  }
0x64: {  	v3 =	vand.u32 $0x7, v3  }
0x65: {  	v3 =	vor.u32 v3, v4  }
0x66: {  	v4 =	vperm.xlane v3, v0;
	_ =	sdelay $0x1  }
0x67: {  	v4 =	vadd.s32 v1, v4;
	_ =	sdelay $0x3  }
0x68: {  	s20 =	simm.s32 $0xF400;
	v3 =	vperm.xlane v3, v2  }
0x69: {  	[tilespmem:s20], [sflag:$0x1] =	stream.indirect_vreg.gather [hbm4b:s1+s4], $0x80, v4, vm0, $0xb8;
	[tilespmem:$0x1B400] =	vst v63  }
0x6a: {  	s21 =	simm.s32 $0xFC00;
	v3 =	vadd.s32 v1, v3  }
0x6b: {  	[tilespmem:s21], [sflag:$0x1] =	stream.indirect_vreg.gather [hbm4b:s8+s4], $0x80, v4, vm0, $0xb8;
	[tilespmem:$0x1B400] =	vst v63  }
0x6c: {  	s22 =	simm.s32 $0x10400  }
0x6d: {  	[tilespmem:s22], [sflag:$0x1] =	stream.indirect_vreg.gather [hbm4b:s9+s4], $0x80, v4, vm0, $0xb8;
	[tilespmem:$0x1B400] =	vst v63  }
0x6e: {  	s23 =	simm.s32 $0x10C00  }
0x6f: {  	[tilespmem:s23], [sflag:$0x1] =	stream.indirect_vreg.gather [hbm4b:s1+s4], $0x80, v3, vm0, $0xb8;
	[tilespmem:$0x1B400] =	vst v63  }
0x70: {  	s24 =	simm.s32 $0x11400  }
0x71: {  	[tilespmem:s24], [sflag:$0x1] =	stream.indirect_vreg.gather [hbm4b:s8+s4], $0x80, v3, vm0, $0xb8;
	[tilespmem:$0x1B400] =	vst v63  }
0x72: {  	s25 =	simm.s32 $0x11C00  }
0x73: {  	[tilespmem:s25], [sflag:$0x1] =	stream.indirect_vreg.gather [hbm4b:s9+s4], $0x80, v3, vm0, $0xb8;
	[tilespmem:$0x1B400] =	vst v63  }
0x74: {  	v3 =	vld [tilespmem:$0x110];
	_ =	sdelay $0x4  }
0x75: {  	v63 =	vshrl.u32 v3, $0x3  }
0x76: {  	v4 =	vmul.u32 $0x30, v63  }
0x77: {  	v3 =	vand.u32 $0x7, v3  }
0x78: {  	v3 =	vor.u32 v3, v4  }
0x79: {  	v4 =	vperm.xlane v3, v0;
	_ =	sdelay $0x1  }
0x7a: {  	v4 =	vadd.s32 v1, v4;
	_ =	sdelay $0x3  }
0x7b: {  	s26 =	simm.s32 $0x12400;
	v3 =	vperm.xlane v3, v2  }
0x7c: {  	[tilespmem:s26], [sflag:$0x1] =	stream.indirect_vreg.gather [hbm4b:s1+s4], $0x80, v4, vm0, $0xb8;
	[tilespmem:$0x1B400] =	vst v63  }
0x7d: {  	s28 =	simm.s32 $0x12C00;
	v3 =	vadd.s32 v1, v3  }
0x7e: {  	[tilespmem:s28], [sflag:$0x1] =	stream.indirect_vreg.gather [hbm4b:s8+s4], $0x80, v4, vm0, $0xb8;
	[tilespmem:$0x1B400] =	vst v63  }
0x7f: {  	s29 =	simm.s32 $0x13400  }
0x80: {  	[tilespmem:s29], [sflag:$0x1] =	stream.indirect_vreg.gather [hbm4b:s9+s4], $0x80, v4, vm0, $0xb8;
	[tilespmem:$0x1B400] =	vst v63  }
0x81: {  	s30 =	simm.s32 $0x13C00  }
0x82: {  	[tilespmem:s30], [sflag:$0x1] =	stream.indirect_vreg.gather [hbm4b:s1+s4], $0x80, v3, vm0, $0xb8;
	[tilespmem:$0x1B400] =	vst v63  }
0x83: {  	s31 =	simm.s32 $0x14400  }
0x84: {  	[tilespmem:s31], [sflag:$0x1] =	stream.indirect_vreg.gather [hbm4b:s8+s4], $0x80, v3, vm0, $0xb8;
	[tilespmem:$0x1B400] =	vst v63  }
0x85: {  	_ = 	snop  }
0x86: {  	[tilespmem:s0], [sflag:$0x1] =	stream.indirect_vreg.gather [hbm4b:s9+s4], $0x80, v3, vm0, $0xb8;
	[tilespmem:$0x1B400] =	vst v63  }
0x87: {  	s19 =	simm.s32 $0x0  }
0x88: {  	[tilespmem:s14], [sflag:$0x2] =	stream.linear.gather [hbm4b:s11+s4], $0x300, $0x38;
	[tilespmem:$0x1B400] =	vst v63  }
.LBB2_2:
0x89: {  	p0 =	seq.s32 s19, $0x0  }
0x8a: {  	s20 =	simm.s32 @!p0 $0x3;
	p1 =	sgt.u32 @!p0 s19, $0x49  }
0x8b: {  	_ =	swait.ge @!p0 [sflag:s20], $0x3000;
	p1 =	por p0, !p1  }
.Ltmp0:
0x8c: {  	[sflag:s20] =	ssyncset.done @!p0 $0x0;
	(pc) =	sbr.rel @!p1 .LBB2_4-.Ltmp0, $4  }
0x8d: {  	[sflag:s20] =	ssyncadd.s32 @!p0 $0xFFFFD000  }
0x8e: {  	_ =	swait.ge @!p0 [sflag:s20], $0x3000  }
0x8f: {  	[sflag:s20] =	ssyncset.done @!p0 $0x0  }
0x90: {  	[sflag:s20] =	ssyncadd.s32 @!p0 $0xFFFFD000  }
0x91: {  	s20 =	sadd.s32 $0x3, s19  }
0x92: {  	s21 =	sshll.u32 s20, $0x7  }
0x93: {  	s21 =	sand.u32 $0x3FFFFF80, s21  }
0x94: {  	v3 =	vld [tilespmem:s21+$0x0];
	_ =	sdelay $0x4  }
0x95: {  	v4 =	vshrl.u32 v3, $0x3  }
0x96: {  	v4 =	vmul.u32 $0x30, v4  }
0x97: {  	v3 =	vand.u32 $0x7, v3  }
0x98: {  	v3 =	vor.u32 v3, v4  }
0x99: {  	v4 =	vperm.xlane v3, v0;
	_ =	sdelay $0x1  }
0x9a: {  	s22 =	sand.u32 $0x3, s20;
	v4 =	vadd.s32 v1, v4  }
0x9b: {  	s23 =	smul.u32 $0x18000, s22;
	_ =	sdelay $0x1  }
0x9c: {  	s23 =	sshrl.u32 s23, $0x2  }
0x9d: {  	s24 =	sadd.s32 $0x3400, s23;
	v3 =	vperm.xlane v3, v2  }
0x9e: {  	[tilespmem:s24], [sflag:$0x1] =	stream.indirect_vreg.gather [hbm4b:s1+s4], $0x80, v4, vm0, $0xb8;
	[tilespmem:$0x1B400] =	vst v63  }
0x9f: {  	s28 =	sadd.s32 $0x3C00, s23;
	v3 =	vadd.s32 v1, v3  }
0xa0: {  	[tilespmem:s28], [sflag:$0x1] =	stream.indirect_vreg.gather [hbm4b:s8+s4], $0x80, v4, vm0, $0xb8;
	[tilespmem:$0x1B400] =	vst v63  }
0xa1: {  	s29 =	sadd.s32 $0x4400, s23  }
0xa2: {  	[tilespmem:s29], [sflag:$0x1] =	stream.indirect_vreg.gather [hbm4b:s9+s4], $0x80, v4, vm0, $0xb8;
	[tilespmem:$0x1B400] =	vst v63  }
0xa3: {  	s30 =	sadd.s32 $0x4C00, s23  }
0xa4: {  	[tilespmem:s30], [sflag:$0x1] =	stream.indirect_vreg.gather [hbm4b:s1+s4], $0x80, v3, vm0, $0xb8;
	[tilespmem:$0x1B400] =	vst v63  }
0xa5: {  	s31 =	sadd.s32 $0x5400, s23  }
0xa6: {  	[tilespmem:s31], [sflag:$0x1] =	stream.indirect_vreg.gather [hbm4b:s8+s4], $0x80, v3, vm0, $0xb8;
	[tilespmem:$0x1B400] =	vst v63  }
0xa7: {  	s2 =	sadd.s32 $0x5C00, s23  }
0xa8: {  	[tilespmem:s2], [sflag:$0x1] =	stream.indirect_vreg.gather [hbm4b:s9+s4], $0x80, v3, vm0, $0xb8;
	[tilespmem:$0x1B400] =	vst v63  }
0xa9: {  	v3 =	vld [tilespmem:s21+$0x10];
	_ =	sdelay $0x4  }
0xaa: {  	v63 =	vshrl.u32 v3, $0x3  }
0xab: {  	v4 =	vmul.u32 $0x30, v63  }
0xac: {  	v3 =	vand.u32 $0x7, v3  }
0xad: {  	v3 =	vor.u32 v3, v4  }
0xae: {  	v4 =	vperm.xlane v3, v0;
	_ =	sdelay $0x1  }
0xaf: {  	v4 =	vadd.s32 v1, v4;
	_ =	sdelay $0x3  }
0xb0: {  	s24 =	sadd.s32 $0x6400, s23;
	v3 =	vperm.xlane v3, v2  }
0xb1: {  	[tilespmem:s24], [sflag:$0x1] =	stream.indirect_vreg.gather [hbm4b:s1+s4], $0x80, v4, vm0, $0xb8;
	[tilespmem:$0x1B400] =	vst v63  }
0xb2: {  	s25 =	sadd.s32 $0x6C00, s23;
	v3 =	vadd.s32 v1, v3  }
0xb3: {  	[tilespmem:s25], [sflag:$0x1] =	stream.indirect_vreg.gather [hbm4b:s8+s4], $0x80, v4, vm0, $0xb8;
	[tilespmem:$0x1B400] =	vst v63  }
0xb4: {  	s26 =	sadd.s32 $0x7400, s23  }
0xb5: {  	[tilespmem:s26], [sflag:$0x1] =	stream.indirect_vreg.gather [hbm4b:s9+s4], $0x80, v4, vm0, $0xb8;
	[tilespmem:$0x1B400] =	vst v63  }
0xb6: {  	s28 =	sadd.s32 $0x7C00, s23  }
0xb7: {  	[tilespmem:s28], [sflag:$0x1] =	stream.indirect_vreg.gather [hbm4b:s1+s4], $0x80, v3, vm0, $0xb8;
	[tilespmem:$0x1B400] =	vst v63  }
0xb8: {  	s29 =	sadd.s32 $0x8400, s23;
	s31 =	smul.u32 $0xC00, s22  }
0xb9: {  	[tilespmem:s29], [sflag:$0x1] =	stream.indirect_vreg.gather [hbm4b:s8+s4], $0x80, v3, vm0, $0xb8;
	[tilespmem:$0x1B400] =	vst v63  }
0xba: {  	s20 =	smul.u32 $0x60, s20;
	s30 =	sadd.s32 $0x8C00, s23;
	s21 =	sshrl.u32 s31, $0x2  }
0xbb: {  	[tilespmem:s30], [sflag:$0x1] =	stream.indirect_vreg.gather [hbm4b:s9+s4], $0x80, v3, vm0, $0xb8;
	[tilespmem:$0x1B400] =	vst v63  }
0xbc: {  	s20 =	sadd.s32 s5, s20;
	s21 =	sadd.s32 $0x2800, s21  }
0xbd: {  	[tilespmem:s21], [sflag:$0x2] =	stream.linear.gather [hbm4b:s20+s4], $0x300, $0x38;
	[tilespmem:$0x1B400] =	vst v63  }
.LBB2_4:
0xbe: {  	s20 =	sand.u32 $0x3, s19  }
0xbf: {  	_ =	swait.ge [sflag:s15], $0x6000;
	s24 =	simm.s32 $0x0;
	s21 =	smul.u32 $0x18000, s20  }
0xc0: {  	[sflag:s15] =	ssyncset.done $0x0;
	s20 =	smul.u32 $0xC00, s20;
	s26 =	sand.u32 $0x1C00, s24  }
0xc1: {  	s23 =	sand.u32 $0x70, s24;
	[sflag:s15] =	ssyncadd.s32 $0xFFFFA000;
	s21 =	sshrl.u32 s21, $0x2  }
0xc2: {  	s29 =	sand.u32 $0x380, s24;
	_ =	swait.ge [sflag:s16], $0x300;
	s22 =	sadd.s32 $0x3400, s21  }
0xc3: {  	s20 =	sshrl.u32 s20, $0x2;
	[sflag:s16] =	ssyncset.done $0x0;
	s25 =	sadd.s32 s26, s22  }
0xc4: {  	s20 =	sadd.s32 $0x2800, s20;
	[sflag:s16] =	ssyncadd.s32 $0xFFFFFD00;
	s25 =	sadd.s32 s23, s25  }
0xc5: {  	s28 =	sadd.s32 $0x4C00, s21;
	s30 =	sadd.s32 s29, s20;
	v3 =	vld [tilespmem:s25+$0x280]  }
0xc6: {  	s29 =	simm.s32 $0x10;
	s26 =	sadd.s32 s26, s28;
	s30 =	sadd.s32 s23, s30;
	v4 =	vld [tilespmem:s25+$0x180]  }
.LBB2_5:
0xc7: {  	p0 =	sne.s32 s29, $0x2F0  }
0xc8: {  	v5 =	vld [tilespmem:s25+$0x300];
	s24 =	sadd.s32 $0x80, s24;
	s31 =	smov.u32 s29;
	s29 =	sadd.s32 $0x10, s29  }
0xc9: {  	v6 =	vld [tilespmem:s25+$0x380]  }
0xca: {  	v7 =	vld [tilespmem:s30+$0x0]  }
0xcb: {  	v8 =	vld [tilespmem:s25+$0x100]  }
0xcc: {  	v9 =	vld [tilespmem:s25+$0x80]  }
0xcd: {  	v10 =	vld [tilespmem:s25+$0x0];
	_ =	sdelay $0x1  }
0xce: {  	v4 =	vadd.f32 v4, v7;
	v11 =	vld [tilespmem:s25+$0x200];
	v5 =	vadd.f32 v5, v7  }
0xcf: {  	v3 =	vadd.f32 v3, v7;
	v8 =	vadd.f32 v8, v7  }
0xd0: {  	v9 =	vadd.f32 v9, v7;
	[tilespmem:s25+$0x180] =	vst v4;
	v4 =	vadd.f32 v6, v7  }
0xd1: {  	v6 =	vadd.f32 v10, v7;
	[tilespmem:s25+$0x100] =	vst v8  }
0xd2: {  	[tilespmem:s25+$0x380] =	vst v4  }
0xd3: {  	[tilespmem:s25+$0x80] =	vst v9;
	v4 =	vadd.f32 v11, v7  }
0xd4: {  	[tilespmem:s25+$0x0] =	vst v6  }
0xd5: {  	[tilespmem:s25+$0x200] =	vst v4  }
0xd6: {  	[tilespmem:s25+$0x300] =	vst v5  }
0xd7: {  	s2 =	sadd.s32 s23, s26;
	s30 =	sand.u32 $0x380, s31;
	[tilespmem:s25+$0x280] =	vst v3  }
0xd8: {  	s23 =	sand.u32 $0x70, s31;
	s25 =	sadd.s32 s30, s20;
	v3 =	vld [tilespmem:s2+$0x0]  }
0xd9: {  	s30 =	sadd.s32 s23, s25;
	s25 =	sand.u32 $0x1C00, s24;
	v4 =	vld [tilespmem:s2+$0x80]  }
0xda: {  	s31 =	sadd.s32 s25, s22;
	s26 =	sadd.s32 s25, s28;
	v5 =	vld [tilespmem:s2+$0x100]  }
0xdb: {  	s25 =	sadd.s32 s23, s31;
	v6 =	vld [tilespmem:s2+$0x180]  }
0xdc: {  	v8 =	vld [tilespmem:s2+$0x200]  }
0xdd: {  	v3 =	vadd.f32 v3, v7;
	v9 =	vld [tilespmem:s2+$0x280]  }
0xde: {  	v4 =	vadd.f32 v4, v7;
	v10 =	vld [tilespmem:s2+$0x300]  }
0xdf: {  	[tilespmem:s2+$0x0] =	vst v3;
	v3 =	vadd.f32 v5, v7;
	v5 =	vld [tilespmem:s2+$0x380]  }
0xe0: {  	[tilespmem:s2+$0x80] =	vst v4;
	v4 =	vadd.f32 v6, v7  }
0xe1: {  	[tilespmem:s2+$0x100] =	vst v3;
	v3 =	vadd.f32 v8, v7  }
0xe2: {  	[tilespmem:s2+$0x180] =	vst v4;
	v4 =	vadd.f32 v9, v7  }
0xe3: {  	[tilespmem:s2+$0x200] =	vst v3;
	v3 =	vadd.f32 v10, v7  }
.Ltmp1:
0xe4: {  	[tilespmem:s2+$0x280] =	vst v4;
	v4 =	vadd.f32 v5, v7;
	(pc) =	sbr.rel @p0 .LBB2_5-.Ltmp1, $4  }
0xe5: {  	[tilespmem:s2+$0x300] =	vst v3  }
0xe6: {  	[tilespmem:s2+$0x380] =	vst v4  }
0xe7: {  	v3 =	vld [tilespmem:s25+$0x280]  }
0xe8: {  	v4 =	vld [tilespmem:s25+$0x180]  }
0xe9: {  	v5 =	vld [tilespmem:s30+$0x0]  }
0xea: {  	v6 =	vld [tilespmem:s25+$0x100];
	_ =	sdelay $0x1  }
0xeb: {  	v7 =	vld [tilespmem:s25+$0x380]  }
0xec: {  	v8 =	vld [tilespmem:s25+$0x80]  }
0xed: {  	v9 =	vld [tilespmem:s25+$0x0];
	v4 =	vadd.f32 v4, v5  }
0xee: {  	v10 =	vld [tilespmem:s25+$0x200];
	v6 =	vadd.f32 v6, v5  }
0xef: {  	v11 =	vld [tilespmem:s25+$0x300];
	v3 =	vadd.f32 v3, v5;
	[tilespmem:s25+$0x180] =	vst v4  }
0xf0: {  	v4 =	vadd.f32 v7, v5;
	[tilespmem:s25+$0x100] =	vst v6  }
0xf1: {  	v7 =	vadd.f32 v8, v5;
	[tilespmem:s25+$0x280] =	vst v3  }
0xf2: {  	v6 =	vadd.f32 v9, v5;
	[tilespmem:s25+$0x380] =	vst v4  }
0xf3: {  	[tilespmem:s25+$0x80] =	vst v7;
	v4 =	vadd.f32 v10, v5  }
0xf4: {  	v7 =	vadd.f32 v11, v5;
	[tilespmem:s25+$0x0] =	vst v6  }
0xf5: {  	[tilespmem:s25+$0x200] =	vst v4  }
0xf6: {  	s2 =	sadd.s32 s23, s26;
	[tilespmem:s25+$0x300] =	vst v7  }
0xf7: {  	v3 =	vld [tilespmem:s2+$0x0]  }
0xf8: {  	v4 =	vld [tilespmem:s2+$0x80]  }
0xf9: {  	v6 =	vld [tilespmem:s2+$0x100]  }
0xfa: {  	v7 =	vld [tilespmem:s2+$0x180]  }
0xfb: {  	v61 =	vld [tilespmem:s2+$0x200]  }
0xfc: {  	v62 =	vld [tilespmem:s2+$0x280];
	v3 =	vadd.f32 v3, v5  }
0xfd: {  	v63 =	vld [tilespmem:s2+$0x300];
	v4 =	vadd.f32 v4, v5  }
0xfe: {  	[tilespmem:s2+$0x0] =	vst v3;
	v3 =	vadd.f32 v6, v5;
	v6 =	vld [tilespmem:s2+$0x380]  }
0xff: {  	[tilespmem:s2+$0x80] =	vst v4;
	v4 =	vadd.f32 v7, v5  }
0x100: {  	[tilespmem:s2+$0x100] =	vst v3;
	v3 =	vadd.f32 v61, v5  }
0x101: {  	s24 =	sshll.u32 s19, $0x7;
	[tilespmem:s2+$0x180] =	vst v4;
	v4 =	vadd.f32 v62, v5  }
0x102: {  	s23 =	sor.u32 s6, s24;
	[tilespmem:s2+$0x200] =	vst v3;
	v3 =	vadd.f32 v63, v5  }
0x103: {  	s24 =	smul.u32 $0x300, s23;
	[tilespmem:s2+$0x280] =	vst v4;
	v4 =	vadd.f32 v6, v5  }
0x104: {  	[tilespmem:s2+$0x300] =	vst v3  }
0x105: {  	s26 =	simm.s32 $0x0;
	s25 =	sadd.s32 s3, s24;
	[tilespmem:s2+$0x380] =	vst v4  }
0x106: {  	[hbm4b:s25+s26] =	stream.linear.scatter [tilespmem:s22], [sflag:$0x3], $0x3000, $0x38;
	[tilespmem:$0x1B400] =	vst v63  }
0x107: {  	s2 =	sand.u32 $0x1C00, s26;
	s22 =	sadd.s32 $0x6400, s21  }
0x108: {  	s24 =	sand.u32 $0x70, s26;
	s31 =	sadd.s32 s2, s22  }
0x109: {  	s29 =	sand.u32 $0x380, s26;
	s25 =	sadd.s32 s24, s31  }
0x10a: {  	s28 =	sadd.s32 $0x7C00, s21;
	s31 =	sadd.s32 s29, s20;
	v3 =	vld [tilespmem:s25+$0x280]  }
0x10b: {  	s21 =	sadd.s32 s2, s28;
	s29 =	simm.s32 $0x10;
	s30 =	sadd.s32 s24, s31;
	v4 =	vld [tilespmem:s25+$0x180]  }
.LBB2_7:
0x10c: {  	p0 =	sne.s32 s29, $0x2F0  }
0x10d: {  	v5 =	vld [tilespmem:s25+$0x300];
	s26 =	sadd.s32 $0x80, s26;
	s2 =	smov.u32 s29;
	s29 =	sadd.s32 $0x10, s29  }
0x10e: {  	v6 =	vld [tilespmem:s25+$0x380]  }
0x10f: {  	v7 =	vld [tilespmem:s30+$0x0]  }
0x110: {  	v8 =	vld [tilespmem:s25+$0x100]  }
0x111: {  	v9 =	vld [tilespmem:s25+$0x80]  }
0x112: {  	v10 =	vld [tilespmem:s25+$0x0];
	_ =	sdelay $0x1  }
0x113: {  	v4 =	vadd.f32 v4, v7;
	v11 =	vld [tilespmem:s25+$0x200];
	v5 =	vadd.f32 v5, v7  }
0x114: {  	v3 =	vadd.f32 v3, v7;
	v8 =	vadd.f32 v8, v7  }
0x115: {  	v9 =	vadd.f32 v9, v7;
	[tilespmem:s25+$0x180] =	vst v4;
	v4 =	vadd.f32 v6, v7  }
0x116: {  	v6 =	vadd.f32 v10, v7;
	[tilespmem:s25+$0x100] =	vst v8  }
0x117: {  	[tilespmem:s25+$0x380] =	vst v4  }
0x118: {  	[tilespmem:s25+$0x80] =	vst v9;
	v4 =	vadd.f32 v11, v7  }
0x119: {  	[tilespmem:s25+$0x0] =	vst v6  }
0x11a: {  	[tilespmem:s25+$0x200] =	vst v4  }
0x11b: {  	[tilespmem:s25+$0x300] =	vst v5  }
0x11c: {  	s31 =	sadd.s32 s24, s21;
	s30 =	sand.u32 $0x380, s2;
	[tilespmem:s25+$0x280] =	vst v3  }
0x11d: {  	s24 =	sand.u32 $0x70, s2;
	s2 =	sadd.s32 s30, s20;
	v3 =	vld [tilespmem:s31+$0x0]  }
0x11e: {  	s30 =	sadd.s32 s24, s2;
	s2 =	sand.u32 $0x1C00, s26;
	v4 =	vld [tilespmem:s31+$0x80]  }
0x11f: {  	s21 =	sadd.s32 s2, s28;
	s25 =	sadd.s32 s2, s22;
	v5 =	vld [tilespmem:s31+$0x100]  }
0x120: {  	s25 =	sadd.s32 s24, s25;
	v6 =	vld [tilespmem:s31+$0x180]  }
0x121: {  	v8 =	vld [tilespmem:s31+$0x200]  }
0x122: {  	v3 =	vadd.f32 v3, v7;
	v9 =	vld [tilespmem:s31+$0x280]  }
0x123: {  	v4 =	vadd.f32 v4, v7;
	v10 =	vld [tilespmem:s31+$0x300]  }
0x124: {  	[tilespmem:s31+$0x0] =	vst v3;
	v3 =	vadd.f32 v5, v7;
	v5 =	vld [tilespmem:s31+$0x380]  }
0x125: {  	[tilespmem:s31+$0x80] =	vst v4;
	v4 =	vadd.f32 v6, v7  }
0x126: {  	[tilespmem:s31+$0x100] =	vst v3;
	v3 =	vadd.f32 v8, v7  }
0x127: {  	[tilespmem:s31+$0x180] =	vst v4;
	v4 =	vadd.f32 v9, v7  }
0x128: {  	[tilespmem:s31+$0x200] =	vst v3;
	v3 =	vadd.f32 v10, v7  }
.Ltmp2:
0x129: {  	[tilespmem:s31+$0x280] =	vst v4;
	v4 =	vadd.f32 v5, v7;
	(pc) =	sbr.rel @p0 .LBB2_7-.Ltmp2, $4  }
0x12a: {  	[tilespmem:s31+$0x300] =	vst v3  }
0x12b: {  	[tilespmem:s31+$0x380] =	vst v4  }
0x12c: {  	v3 =	vld [tilespmem:s25+$0x280]  }
0x12d: {  	v4 =	vld [tilespmem:s25+$0x180]  }
0x12e: {  	v5 =	vld [tilespmem:s30+$0x0]  }
0x12f: {  	v6 =	vld [tilespmem:s25+$0x100]  }
0x130: {  	v7 =	vld [tilespmem:s25+$0x380]  }
0x131: {  	v8 =	vld [tilespmem:s25+$0x80]  }
0x132: {  	v9 =	vld [tilespmem:s25+$0x0]  }
0x133: {  	v10 =	vld [tilespmem:s25+$0x200];
	v4 =	vadd.f32 v4, v5  }
0x134: {  	v11 =	vld [tilespmem:s25+$0x300];
	v6 =	vadd.f32 v6, v5  }
0x135: {  	v52 =	vadd.f32 v7, v5;
	[tilespmem:s25+$0x180] =	vst v4  }
0x136: {  	v53 =	vadd.f32 v8, v5;
	[tilespmem:s25+$0x100] =	vst v6  }
0x137: {  	v54 =	vadd.f32 v9, v5;
	[tilespmem:s25+$0x380] =	vst v52  }
0x138: {  	v55 =	vadd.f32 v10, v5;
	[tilespmem:s25+$0x80] =	vst v53  }
0x139: {  	v56 =	vadd.f32 v11, v5;
	[tilespmem:s25+$0x0] =	vst v54  }
0x13a: {  	v3 =	vadd.f32 v3, v5;
	[tilespmem:s25+$0x200] =	vst v55  }
0x13b: {  	[tilespmem:s25+$0x300] =	vst v56  }
0x13c: {  	s2 =	sadd.s32 s24, s21;
	[tilespmem:s25+$0x280] =	vst v3  }
0x13d: {  	v3 =	vld [tilespmem:s2+$0x0]  }
0x13e: {  	v4 =	vld [tilespmem:s2+$0x80]  }
0x13f: {  	v7 =	vld [tilespmem:s2+$0x180]  }
0x140: {  	v6 =	vld [tilespmem:s2+$0x100]  }
0x141: {  	v58 =	vld [tilespmem:s2+$0x280]  }
0x142: {  	v57 =	vld [tilespmem:s2+$0x200];
	v3 =	vadd.f32 v3, v5  }
0x143: {  	v60 =	vld [tilespmem:s2+$0x380];
	v4 =	vadd.f32 v4, v5  }
0x144: {  	v59 =	vld [tilespmem:s2+$0x300];
	v61 =	vadd.f32 v7, v5;
	[tilespmem:s2+$0x0] =	vst v3  }
0x145: {  	v3 =	vadd.f32 v6, v5;
	[tilespmem:s2+$0x80] =	vst v4  }
0x146: {  	s19 =	sadd.s32 $0x1, s19;
	v62 =	vadd.f32 v58, v5;
	[tilespmem:s2+$0x180] =	vst v61  }
0x147: {  	s20 =	smul.u32 $0x1800, s23;
	p0 =	sne.s32 s19, $0x4D;
	[tilespmem:s2+$0x100] =	vst v3;
	v3 =	vadd.f32 v57, v5  }
.Ltmp3:
0x148: {  	v63 =	vadd.f32 v60, v5;
	[tilespmem:s2+$0x280] =	vst v62;
	(pc) =	sbr.rel @p0 .LBB2_2-.Ltmp3, $4  }
0x149: {  	s20 =	sshrl.u32 s20, $0x3;
	[tilespmem:s2+$0x200] =	vst v3;
	v3 =	vadd.f32 v59, v5  }
0x14a: {  	s20 =	sadd.s32 s3, s20;
	[tilespmem:s2+$0x380] =	vst v63  }
0x14b: {  	s31 =	sadd.s32 $0x600, s20;
	[tilespmem:s2+$0x300] =	vst v3  }
0x14c: {  	[hbm4b:s31+s4] =	stream.linear.scatter [tilespmem:s22], [sflag:$0x3], $0x3000, $0x38;
	[tilespmem:$0x1B400] =	vst v63  }
0x14d: {  	s18 =	sadd.s32 $0x1, s18  }
0x14e: {  	_ =	swait.ge [sflag:s17], $0x3000;
	p0 =	sne.s32 s18, s12  }
.Ltmp4:
0x14f: {  	[sflag:s17] =	ssyncset.done $0x0;
	(pc) =	sbr.rel @p0 .LBB2_1-.Ltmp4, $4  }
0x150: {  	[sflag:s17] =	ssyncadd.s32 $0xFFFFD000  }
0x151: {  	_ =	swait.ge [sflag:s17], $0x3000  }
0x152: {  	[sflag:s17] =	ssyncset.done $0x0  }
0x153: {  	[sflag:s17] =	ssyncadd.s32 $0xFFFFD000  }
0x154: {  	_ =	sfence.sel $0x180000  }
0x155: {  	[bflag:$0x0] =	sbarrier.arrive $0xFFFF  }
0x156: {  	_ =	strace $0x90000047  }
0x157: {  	s0 =	stileid.u32;
	[bflag:$0x2] =	sbarrier.arrive $0xFFFF  }
0x158: {  	p0 =	sne.s32 s0, $0x0;
	s0 =	rddreg [dreg:$0x3]  }
0x159: {  	s0 =	sadd.s32 @!p0 $0x100000, s0  }
0x15a: {  	[sflag:s0] =	ssyncadd.tile.s32 @!p0 $0x1;
	_ =	shalt  }
.Lfunc_end2:
_tile_overlayer_lowered:
.L_overlay_start_2:
0x15b: {  	(tag) =	ssettag $0x2  }
0x15c: {  	s0 =	rddreg [dreg:$0x0];
	s2 =	stileid.u32  }
0x15d: {  	s1 =	rddreg [dreg:$0x1];
	p0 =	sne.s32 s2, $0x0  }
0x15e: {  	s3 =	rddreg [dreg:$0x2];
	[bflag:$0x3] =	sbarrier.arrive $0xFFFF;
	s2 =	simm.s32 @!p0 $0x1C04  }
0x15f: {  	[timem:s3], [sflag:s2] =	dma.local @!p0 [hbm:s0], s1  }
0x160: {  	s0 =	simm.s32 @!p0 $0x4  }
0x161: {  	_ =	swait.ge @!p0 [sflag:s0], s1  }
0x162: {  	s1 =	ssub.s32 @!p0 $0x0, s1;
	[sflag:s0] =	ssyncset.done @!p0 $0x0  }
0x163: {  	[sflag:s0] =	ssyncadd.s32 @!p0 s1  }
0x164: {  	[bflag:$0x3] =	sbarrier.arrive $0xFFFF  }
0x165: {  	_ =	shalt  }

</sc_bundles>
